<compile_context>
chip_gen: v7x
topology: tpu7x:2x2x1
jax: 0.10.2.dev20260603
libtpu: 0.0.44.dev20260713+nightly
codegen_flags: <defaults>
</compile_context>

<pallas_src>
import jax
import jax.numpy as jnp
from jax import lax
from jax.experimental import pallas as pl
from jax.experimental.pallas import tpu as pltpu
from jax.experimental.pallas import tpu_sc as plsc

N = 10000
E = 320000
D = 128
H = 8
HD = 16

N1 = 10240
ROWS_PER_TILE = N1 // 16
C = 80
NCHUNK = 126
EPT = NCHUNK * C
E_PAD = EPT * 32
W = D + 2 * H


def _elu(v):
    return jnp.where(v > 0, v, jnp.exp(jnp.minimum(v, 0.0)) - 1.0)


def _prep_body(x_ref, wct_ref, wctp_ref, bc_ref, bcp_ref, al_ref, ar_ref,
               ab_ref, pint_ref, src_tab_ref, el_tab_ref, hp_tab_ref):
    h = jnp.dot(x_ref[...], wct_ref[...], preferred_element_type=jnp.float32)
    h = h + bc_ref[...]
    hp = jnp.dot(x_ref[...], wctp_ref[...], preferred_element_type=jnp.float32)
    hp_tab_ref[...] = hp + bcp_ref[...]
    el = jnp.dot(h, al_ref[...], preferred_element_type=jnp.float32) + ab_ref[...]
    er = jnp.dot(h, ar_ref[...], preferred_element_type=jnp.float32)
    eri = jnp.dot(er, pint_ref[...], preferred_element_type=jnp.float32)
    r = h.shape[0]
    z8 = jnp.zeros((r, 8), jnp.float32)
    src_tab_ref[...] = jnp.concatenate([h, eri], axis=1).astype(jnp.bfloat16)
    el_tab_ref[...] = jnp.concatenate([el, z8], axis=1)


def _prep(x_pad, wct, wctp, bc, bcp, al, ar, ab_row, pint):
    blk = 512
    grid = (N1 // blk,)
    return pl.pallas_call(
        _prep_body,
        grid=grid,
        in_specs=[
            pl.BlockSpec((blk, D), lambda i: (i, 0)),
            pl.BlockSpec((D, D), lambda i: (0, 0)),
            pl.BlockSpec((D, D), lambda i: (0, 0)),
            pl.BlockSpec((1, D), lambda i: (0, 0)),
            pl.BlockSpec((1, D), lambda i: (0, 0)),
            pl.BlockSpec((D, H), lambda i: (0, 0)),
            pl.BlockSpec((D, H), lambda i: (0, 0)),
            pl.BlockSpec((1, H), lambda i: (0, 0)),
            pl.BlockSpec((H, 32), lambda i: (0, 0)),
        ],
        out_specs=[
            pl.BlockSpec((blk, 160), lambda i: (i, 0)),
            pl.BlockSpec((blk, 16), lambda i: (i, 0)),
            pl.BlockSpec((blk, D), lambda i: (i, 0)),
        ],
        out_shape=[
            jax.ShapeDtypeStruct((N1, 160), jnp.bfloat16),
            jax.ShapeDtypeStruct((N1, 16), jnp.float32),
            jax.ShapeDtypeStruct((N1, D), jnp.float32),
        ],
    )(x_pad, wct, wctp, bc, bcp, al, ar, ab_row, pint)


def _edge_body(edges3, el_tab, src_tab, acc_out,
               idx0, idx1, el0, el1, sb0, sb1, ob0, ob1, oidx0, oidx1,
               sem_e0, sem_e1, sem_s0, sem_s1, sem_c0, sem_c1, acc_sh):
    c = lax.axis_index("c")
    s = lax.axis_index("s")
    lanes = lax.iota(jnp.int32, 16)
    lane_mask = lanes < H
    ITL = plsc.PackFormat.INTERLEAVED

    zero16 = jnp.zeros((16,), jnp.float32)

    def zrow(j, carry):
        for k in range(W // 16):
            ob1[j, pl.ds(k * 16, 16)] = zero16
        return carry
    lax.fori_loop(0, C, zrow, 0)
    zbase = s * ROWS_PER_TILE
    for t in range(ROWS_PER_TILE // C):
        pltpu.sync_copy(ob1, acc_sh.at[pl.ds(zbase + t * C, C)])
    rem = ROWS_PER_TILE % C
    if rem:
        pltpu.sync_copy(ob1.at[pl.ds(0, rem)],
                        acc_sh.at[pl.ds(zbase + (ROWS_PER_TILE // C) * C, rem)])

    wid = s * 2 + c
    pbase = wid * NCHUNK

    def gathers(k, idxb, elb, sbb, sem_e, sem_s):
        pltpu.sync_copy(edges3.at[:, k], idxb)
        pltpu.async_copy(el_tab.at[idxb.at[0]], elb, sem_e)
        pltpu.async_copy(src_tab.at[idxb.at[1]], sbb, sem_s)

    def wait_gathers(idxb, elb, sbb, sem_e, sem_s):
        pltpu.make_async_copy(el_tab.at[idxb.at[0]], elb, sem_e).wait()
        pltpu.make_async_copy(src_tab.at[idxb.at[1]], sbb, sem_s).wait()

    def copy_oidx(idxb, oidxb):
        for k in range(C // 16):
            oidxb[pl.ds(k * 16, 16)] = idxb[0, pl.ds(k * 16, 16)]

    def scatter(obb, oidxb, sem_c):
        pltpu.async_copy(obb, acc_sh.at[oidxb], sem_c, add=True)

    def wait_scatter(obb, oidxb, sem_c):
        pltpu.make_async_copy(obb, acc_sh.at[oidxb], sem_c).wait()

    def compute(elb, sbb, obb):
        @plsc.parallel_loop(0, C, unroll=4)
        def edge(j):
            ervec, _ = plsc.unpack(sbb[j, pl.ds(D, 32)], format=ITL)
            e = elb[j, pl.ds(0, 16)] + ervec
            e = jnp.where(e >= 0, e, 0.2 * e)
            tv = jnp.where(lane_mask, jnp.exp(e), 0.0)
            for g in range(4):
                a, b = plsc.unpack(sbb[j, pl.ds(32 * g, 32)], format=ITL)
                m = jnp.where(lane_mask, tv[2 * g], tv[2 * g + 1])
                obb[j, pl.ds(32 * g, 16)] = a * m
                obb[j, pl.ds(32 * g + 16, 16)] = b * m
            obb[j, pl.ds(D, 16)] = tv

    gathers(pbase, idx0, el0, sb0, sem_e0, sem_s0)
    plsc.subcore_barrier()

    def pair(p, carry):
        k0 = pbase + 2 * p

        gathers(k0 + 1, idx1, el1, sb1, sem_e1, sem_s1)

        wait_gathers(idx0, el0, sb0, sem_e0, sem_s0)

        @pl.when(p > 0)
        def _():
            wait_scatter(ob0, oidx0, sem_c0)
        copy_oidx(idx0, oidx0)
        compute(el0, sb0, ob0)
        scatter(ob0, oidx0, sem_c0)

        @pl.when(p < NCHUNK // 2 - 1)
        def _():
            gathers(k0 + 2, idx0, el0, sb0, sem_e0, sem_s0)

        wait_gathers(idx1, el1, sb1, sem_e1, sem_s1)

        @pl.when(p > 0)
        def _():
            wait_scatter(ob1, oidx1, sem_c1)
        copy_oidx(idx1, oidx1)
        compute(el1, sb1, ob1)
        scatter(ob1, oidx1, sem_c1)
        return carry
    lax.fori_loop(0, NCHUNK // 2, pair, 0)
    wait_scatter(ob0, oidx0, sem_c0)
    wait_scatter(ob1, oidx1, sem_c1)
    plsc.subcore_barrier()

    pltpu.sync_copy(acc_sh.at[pl.ds(s * ROWS_PER_TILE, ROWS_PER_TILE)],
                    acc_out.at[c, pl.ds(s * ROWS_PER_TILE, ROWS_PER_TILE)])


def _edge_pass(edges3, el_tab, src_tab):
    mesh = plsc.VectorSubcoreMesh(core_axis_name="c", subcore_axis_name="s")
    f = pl.kernel(
        _edge_body,
        out_type=jax.ShapeDtypeStruct((2, N1, W), jnp.float32),
        mesh=mesh,
        compiler_params=pltpu.CompilerParams(
            use_tc_tiling_on_sc=False, needs_layout_passes=False),
        scratch_types=(
            [pltpu.VMEM((2, C), jnp.int32)] * 2
            + [pltpu.VMEM((C, 16), jnp.float32)] * 2
            + [pltpu.VMEM((C, 160), jnp.bfloat16)] * 2
            + [pltpu.VMEM((C, W), jnp.float32)] * 2
            + [pltpu.VMEM((C,), jnp.int32)] * 2
            + [pltpu.SemaphoreType.DMA] * 6
            + [pltpu.VMEM_SHARED((N1, W), jnp.float32)]
        ),
    )
    return f(edges3, el_tab, src_tab)


def _epi_body(acc0_ref, acc1_ref, hp_ref, b_ref, gm_ref, k_ref,
              gam_ref, bet_ref, ob_ref, out_ref):
    a = acc0_ref[0] + acc1_ref[0]
    num = a[:, :D]
    den = a[:, D:D + H]
    deninv = jnp.where(den > 0, 1.0 / den, 0.0)
    shb = jnp.dot(deninv, b_ref[...], preferred_element_type=jnp.float32)
    h = hp_ref[...]
    y = _elu(num * shb + h)
    mu = jnp.dot(y, gm_ref[...], preferred_element_type=jnp.float32)
    d = y - mu
    var = jnp.dot(d * d, gm_ref[...], preferred_element_type=jnp.float32)
    z = d * lax.rsqrt(var + 1e-5) * gam_ref[...] + bet_ref[...]
    o = jnp.dot(z, k_ref[...], preferred_element_type=jnp.float32) + ob_ref[...]
    out_ref[...] = _elu(o)


def _epilogue(acc, hp_tab, b_mat, gm, k_mat, gam, bet, ob_row):
    blk = 1000
    grid = (N // blk,)
    return pl.pallas_call(
        _epi_body,
        grid=grid,
        in_specs=[
            pl.BlockSpec((1, blk, W), lambda i: (0, i, 0)),
            pl.BlockSpec((1, blk, W), lambda i: (1, i, 0)),
            pl.BlockSpec((blk, D), lambda i: (i, 0)),
            pl.BlockSpec((H, D), lambda i: (0, 0)),
            pl.BlockSpec((D, D), lambda i: (0, 0)),
            pl.BlockSpec((D, D), lambda i: (0, 0)),
            pl.BlockSpec((1, D), lambda i: (0, 0)),
            pl.BlockSpec((1, D), lambda i: (0, 0)),
            pl.BlockSpec((1, D), lambda i: (0, 0)),
        ],
        out_specs=pl.BlockSpec((blk, D), lambda i: (i, 0)),
        out_shape=jax.ShapeDtypeStruct((N, D), jnp.float32),
    )(acc, acc, hp_tab, b_mat, gm, k_mat, gam, bet, ob_row)


def kernel(node_features, edge_index, w_weight, w_bias, attn_weight, attn_bias,
           ln_gamma, ln_beta, out_weight, out_bias):
    f32 = jnp.float32
    wct = w_weight.reshape(H * HD, D).T.astype(f32)
    bc = w_bias.reshape(1, H * HD).astype(f32)
    a_l = attn_weight[:, 0, :HD]
    a_r = attn_weight[:, 0, HD:]
    eye8 = jnp.eye(H, dtype=f32)
    al = (a_l[:, :, None] * eye8[:, None, :]).reshape(H * HD, H)
    ar = (a_r[:, :, None] * eye8[:, None, :]).reshape(H * HD, H)
    ab_row = attn_bias[:, 0].reshape(1, H).astype(f32)
    b_mat = jnp.kron(eye8, jnp.ones((1, HD), f32))
    gm = jnp.kron(eye8, jnp.ones((HD, HD), f32) / HD)
    k_mat = jnp.tile(out_weight.T.astype(f32), (H, 1)) / H
    gam = ln_gamma.reshape(1, H * HD).astype(f32)
    bet = ln_beta.reshape(1, H * HD).astype(f32)
    ob_row = out_bias.reshape(1, D).astype(f32)

    q = []
    for g in range(4):
        q += [32 * g + 2 * i for i in range(16)]
        q += [32 * g + 2 * i + 1 for i in range(16)]
    qa = jnp.array(q, jnp.int32)
    wctp = wct[:, qa]
    bcp = bc[:, qa]
    b_perm = b_mat[:, qa]
    gm_perm = gm[qa][:, qa]
    k_perm = k_mat[qa, :]
    gam_p = gam[:, qa]
    bet_p = bet[:, qa]
    pint = jnp.zeros((H, 32), f32).at[jnp.arange(H), 2 * jnp.arange(H)].set(1.0)

    x_pad = jnp.concatenate(
        [node_features.astype(f32), jnp.zeros((N1 - N, D), f32)], axis=0)
    pad_idx = jnp.full((2, E_PAD - E), N, jnp.int32)
    edges3 = jnp.concatenate(
        [edge_index.astype(jnp.int32), pad_idx], axis=1).reshape(2, -1, C)

    src_tab, el_tab, hp_tab = _prep(x_pad, wct, wctp, bc, bcp, al, ar,
                                    ab_row, pint)
    acc = _edge_pass(edges3, el_tab, src_tab)
    return _epilogue(acc, hp_tab, b_perm, gm_perm, k_perm, gam_p, bet_p,
                     ob_row)

# --- scband reference (transcript-rebuilt; emitter-appended) ---
"""Pipeline reference for scband-multi-head-gatlayer-45028437131378 (READ-ONLY COPY).

The authoritative reference and input builder live on the scoring server;
editing this copy changes nothing except your own understanding.
"""

import jax, jax.numpy as jnp
import numpy as np

N = 10000
E = 320000
D = 128
H = 8
HD = 16  # n_hidden_features // num_heads


def setup_inputs(seed: int = 0) -> dict:
    key = jax.random.key(seed)
    ks = jax.random.split(key, 8)
    node_features = jax.random.normal(ks[0], (N, D), dtype=jnp.float32)
    edge_index = jax.random.randint(ks[1], (2, E), 0, N, dtype=jnp.int32)
    # per-head parameters, stacked along leading head axis
    w_weight = jax.random.normal(ks[2], (H, HD, D), dtype=jnp.float32) * 0.05
    w_bias = jnp.zeros((H, HD), dtype=jnp.float32)
    attn_weight = jax.random.normal(ks[3], (H, 1, 2 * HD), dtype=jnp.float32) * 0.05
    attn_bias = jnp.zeros((H, 1), dtype=jnp.float32)
    ln_gamma = jnp.ones((H, HD), dtype=jnp.float32)
    ln_beta = jnp.zeros((H, HD), dtype=jnp.float32)
    out_weight = jax.random.normal(ks[4], (D, HD), dtype=jnp.float32) * 0.05
    out_bias = jnp.zeros((D,), dtype=jnp.float32)
    return {
        'node_features': node_features,
        'edge_index': edge_index,
        'w_weight': w_weight,
        'w_bias': w_bias,
        'attn_weight': attn_weight,
        'attn_bias': attn_bias,
        'ln_gamma': ln_gamma,
        'ln_beta': ln_beta,
        'out_weight': out_weight,
        'out_bias': out_bias,
    }


def reference(node_features, edge_index, w_weight, w_bias, attn_weight, attn_bias,
              ln_gamma, ln_beta, out_weight, out_bias):
    n = node_features.shape[0]
    tgt = edge_index[0]
    src = edge_index[1]

    def head(ww, wb, aw, ab, lg, lb):
        # h = W x + b
        h = node_features @ ww.T + wb                      # [N, HD]
        h_i = jnp.take(h, tgt, axis=0)                     # [E, HD]
        h_j = jnp.take(h, src, axis=0)                     # [E, HD]
        h_concat = jnp.concatenate([h_i, h_j], axis=-1)    # [E, 2*HD]
        e = h_concat @ aw.T + ab                           # [E, 1]
        # leaky_relu with negative_slope = 0.2
        e = jnp.where(e >= 0, e, 0.2 * e)
        # scatter_softmax over target index
        m = jax.ops.segment_max(e, tgt, num_segments=n)
        m = jnp.where(jnp.isfinite(m), m, 0.0)
        ex = jnp.exp(e - jnp.take(m, tgt, axis=0))
        s = jax.ops.segment_sum(ex, tgt, num_segments=n)
        alpha = ex / jnp.take(s, tgt, axis=0)
        # message passing: scatter_add of alpha * h_j, plus skip connection
        agg = jax.ops.segment_sum(alpha * h_j, tgt, num_segments=n)
        out = jax.nn.elu(agg + h)
        # LayerNorm (biased variance, eps=1e-5) applied after elu
        mu = jnp.mean(out, axis=-1, keepdims=True)
        var = jnp.mean((out - mu) ** 2, axis=-1, keepdims=True)
        return (out - mu) / jnp.sqrt(var + 1e-5) * lg + lb

    heads = jax.vmap(head)(w_weight, w_bias, attn_weight, attn_bias, ln_gamma, ln_beta)  # [H, N, HD]
    mean_heads = jnp.mean(heads, axis=0)                   # [N, HD]
    # agg_method == 'mean' -> out_layer is Linear(HD, D)
    return jax.nn.elu(mean_heads @ out_weight.T + out_bias)

if __name__ == "__main__":
    import jax
    _d = setup_inputs()
    print(jax.jit(kernel)(*tuple(_d.values())))

</pallas_src>

<mosaic_0001>
#map = affine_map<(d0, d1) -> (0, 0, 0)>
#map1 = affine_map<(d0, d1) -> (0, 0)>
module attributes {stable_mosaic.version = 14 : i64} {
  func.func @_edge_body(%arg0: i32, %arg1: i32, %arg2: memref<2x4032x80xi32, #tpu.memory_space<hbm>>, %arg3: memref<10240x16xf32, #tpu.memory_space<hbm>>, %arg4: memref<10240x160xbf16, #tpu.memory_space<hbm>>, %arg5: memref<2x10240x144xf32, #tpu.memory_space<hbm>>, %arg6: memref<2x80xi32, #tpu.memory_space<vmem>>, %arg7: memref<2x80xi32, #tpu.memory_space<vmem>>, %arg8: memref<80x16xf32, #tpu.memory_space<vmem>>, %arg9: memref<80x16xf32, #tpu.memory_space<vmem>>, %arg10: memref<80x160xbf16, #tpu.memory_space<vmem>>, %arg11: memref<80x160xbf16, #tpu.memory_space<vmem>>, %arg12: memref<80x144xf32, #tpu.memory_space<vmem>>, %arg13: memref<80x144xf32, #tpu.memory_space<vmem>>, %arg14: memref<80xi32, #tpu.memory_space<vmem>>, %arg15: memref<80xi32, #tpu.memory_space<vmem>>, %arg16: memref<!tpu.dma_semaphore, #tpu.memory_space<semaphore_mem>>, %arg17: memref<!tpu.dma_semaphore, #tpu.memory_space<semaphore_mem>>, %arg18: memref<!tpu.dma_semaphore, #tpu.memory_space<semaphore_mem>>, %arg19: memref<!tpu.dma_semaphore, #tpu.memory_space<semaphore_mem>>, %arg20: memref<!tpu.dma_semaphore, #tpu.memory_space<semaphore_mem>>, %arg21: memref<!tpu.dma_semaphore, #tpu.memory_space<semaphore_mem>>, %arg22: memref<10240x144xf32, #tpu.memory_space<vmem_shared>>) attributes {dimension_semantics = [#tpu.dimension_semantics<core_parallel>, #tpu.dimension_semantics<subcore_parallel>], iteration_bounds = array<i64: 2, 16>, scalar_prefetch = 0 : i64, scratch_operands = 17 : i64, tpu.core_type = #tpu.core_type<sc_vector_subcore>, window_params = [{transform_indices = #map}, {transform_indices = #map1}, {transform_indices = #map1}, {transform_indices = #map}]} {
    %iota3A = tpu.iota {dimensions = array<i32: 0>} : vector<16xi32>
    %lt3A = arith.constant 8 : i32
    %lt3A_0 = vector.broadcast %lt3A : i32 to vector<16xi32>
    %lt3A_1 = arith.cmpi slt, %iota3A, %lt3A_0 : vector<16xi32>
    %broadcast_in_dim3A = arith.constant 0.000000e+00 : f32
    %broadcast_in_dim3A_2 = vector.broadcast %broadcast_in_dim3A : f32 to vector<16xf32>
    %scan3A = arith.constant 0 : i32
    %scan3A_3 = arith.constant 0 : i32
    %scan3A_4 = arith.constant 80 : i32
    %scan3A_5 = arith.addi %scan3A_3, %scan3A_4 : i32
    %scan3A_6 = arith.constant 1 : i32
    scf.for %scan3A_58 = %scan3A_3 to %scan3A_5 step %scan3A_6  : i32 {
      %swap3A = arith.index_cast %scan3A_58 : i32 to index
      %swap3A_59 = arith.constant 0 : index
      %swap3A_60 = tpu.vector_load %arg13[%swap3A, %swap3A_59] {strides = array<i32>} : memref<80x144xf32, #tpu.memory_space<vmem>>, vector<16xf32>,
      tpu.vector_store %arg13[%swap3A, %swap3A_59], %broadcast_in_dim3A_2 {strides = array<i32>} : memref<80x144xf32, #tpu.memory_space<vmem>>, vector<16xf32>,
      %swap3A_61 = arith.index_cast %scan3A_58 : i32 to index
      %swap3A_62 = arith.constant 16 : index
      %swap3A_63 = tpu.vector_load %arg13[%swap3A_61, %swap3A_62] {strides = array<i32>} : memref<80x144xf32, #tpu.memory_space<vmem>>, vector<16xf32>,
      tpu.vector_store %arg13[%swap3A_61, %swap3A_62], %broadcast_in_dim3A_2 {strides = array<i32>} : memref<80x144xf32, #tpu.memory_space<vmem>>, vector<16xf32>,
      %swap3A_64 = arith.index_cast %scan3A_58 : i32 to index
      %swap3A_65 = arith.constant 32 : index
      %swap3A_66 = tpu.vector_load %arg13[%swap3A_64, %swap3A_65] {strides = array<i32>} : memref<80x144xf32, #tpu.memory_space<vmem>>, vector<16xf32>,
      tpu.vector_store %arg13[%swap3A_64, %swap3A_65], %broadcast_in_dim3A_2 {strides = array<i32>} : memref<80x144xf32, #tpu.memory_space<vmem>>, vector<16xf32>,
      %swap3A_67 = arith.index_cast %scan3A_58 : i32 to index
      %swap3A_68 = arith.constant 48 : index
      %swap3A_69 = tpu.vector_load %arg13[%swap3A_67, %swap3A_68] {strides = array<i32>} : memref<80x144xf32, #tpu.memory_space<vmem>>, vector<16xf32>,
      tpu.vector_store %arg13[%swap3A_67, %swap3A_68], %broadcast_in_dim3A_2 {strides = array<i32>} : memref<80x144xf32, #tpu.memory_space<vmem>>, vector<16xf32>,
      %swap3A_70 = arith.index_cast %scan3A_58 : i32 to index
      %swap3A_71 = arith.constant 64 : index
      %swap3A_72 = tpu.vector_load %arg13[%swap3A_70, %swap3A_71] {strides = array<i32>} : memref<80x144xf32, #tpu.memory_space<vmem>>, vector<16xf32>,
      tpu.vector_store %arg13[%swap3A_70, %swap3A_71], %broadcast_in_dim3A_2 {strides = array<i32>} : memref<80x144xf32, #tpu.memory_space<vmem>>, vector<16xf32>,
      %swap3A_73 = arith.index_cast %scan3A_58 : i32 to index
      %swap3A_74 = arith.constant 80 : index
      %swap3A_75 = tpu.vector_load %arg13[%swap3A_73, %swap3A_74] {strides = array<i32>} : memref<80x144xf32, #tpu.memory_space<vmem>>, vector<16xf32>,
      tpu.vector_store %arg13[%swap3A_73, %swap3A_74], %broadcast_in_dim3A_2 {strides = array<i32>} : memref<80x144xf32, #tpu.memory_space<vmem>>, vector<16xf32>,
      %swap3A_76 = arith.index_cast %scan3A_58 : i32 to index
      %swap3A_77 = arith.constant 96 : index
      %swap3A_78 = tpu.vector_load %arg13[%swap3A_76, %swap3A_77] {strides = array<i32>} : memref<80x144xf32, #tpu.memory_space<vmem>>, vector<16xf32>,
      tpu.vector_store %arg13[%swap3A_76, %swap3A_77], %broadcast_in_dim3A_2 {strides = array<i32>} : memref<80x144xf32, #tpu.memory_space<vmem>>, vector<16xf32>,
      %swap3A_79 = arith.index_cast %scan3A_58 : i32 to index
      %swap3A_80 = arith.constant 112 : index
      %swap3A_81 = tpu.vector_load %arg13[%swap3A_79, %swap3A_80] {strides = array<i32>} : memref<80x144xf32, #tpu.memory_space<vmem>>, vector<16xf32>,
      tpu.vector_store %arg13[%swap3A_79, %swap3A_80], %broadcast_in_dim3A_2 {strides = array<i32>} : memref<80x144xf32, #tpu.memory_space<vmem>>, vector<16xf32>,
      %swap3A_82 = arith.index_cast %scan3A_58 : i32 to index
      %swap3A_83 = arith.constant 128 : index
      %swap3A_84 = tpu.vector_load %arg13[%swap3A_82, %swap3A_83] {strides = array<i32>} : memref<80x144xf32, #tpu.memory_space<vmem>>, vector<16xf32>,
      tpu.vector_store %arg13[%swap3A_82, %swap3A_83], %broadcast_in_dim3A_2 {strides = array<i32>} : memref<80x144xf32, #tpu.memory_space<vmem>>, vector<16xf32>,
    }
    %scan3A_7 = arith.constant 80 : i32
    %mul3A = arith.constant 640 : i32
    %mul3A_8 = arith.muli %arg1, %mul3A : i32
    %add3A = arith.constant 0 : i32
    %add3A_9 = arith.addi %mul3A_8, %add3A : i32
    "tpu.region"() ({
      %run_scoped3A = tpu.sem_alloc : memref<!tpu.dma_semaphore, #tpu.memory_space<semaphore_mem>>
      %dma_start3A_58 = arith.constant 0 : i32
      %dma_start3A_59 = tpu.memref_slice %arg22[%add3A_9, %dma_start3A_58] : memref<10240x144xf32, #tpu.memory_space<vmem_shared>> -> memref<80x144xf32, #tpu.memory_space<vmem_shared>>
      %dma_start3A_60 = arith.constant 0 : i32
      %dma_start3A_61 = tpu.memref_slice %arg22[%add3A_9, %dma_start3A_60] : memref<10240x144xf32, #tpu.memory_space<vmem_shared>> -> memref<80x144xf32, #tpu.memory_space<vmem_shared>>
      tpu.enqueue_dma source(%arg13 : memref<80x144xf32, #tpu.memory_space<vmem>>) target(%dma_start3A_61 : memref<80x144xf32, #tpu.memory_space<vmem_shared>>) target_semaphore(%run_scoped3A : memref<!tpu.dma_semaphore, #tpu.memory_space<semaphore_mem>>)
      %dma_wait3A_62 = arith.constant 0 : i32
      %dma_wait3A_63 = tpu.memref_slice %arg22[%add3A_9, %dma_wait3A_62] : memref<10240x144xf32, #tpu.memory_space<vmem_shared>> -> memref<80x144xf32, #tpu.memory_space<vmem_shared>>
      %dma_wait3A_64 = arith.constant 0 : i32
      %dma_wait3A_65 = tpu.memref_slice %arg22[%add3A_9, %dma_wait3A_64] : memref<10240x144xf32, #tpu.memory_space<vmem_shared>> -> memref<80x144xf32, #tpu.memory_space<vmem_shared>>
      tpu.wait_dma2 semaphore(%run_scoped3A : memref<!tpu.dma_semaphore, #tpu.memory_space<semaphore_mem>>) src(%arg13 : memref<80x144xf32, #tpu.memory_space<vmem>>) dst(%dma_wait3A_65 : memref<80x144xf32, #tpu.memory_space<vmem_shared>>)
      tpu.yield
    }) : () -> ()
    %add3A_10 = arith.constant 80 : i32
    %add3A_11 = arith.addi %mul3A_8, %add3A_10 : i32
    "tpu.region"() ({
      %run_scoped3A = tpu.sem_alloc : memref<!tpu.dma_semaphore, #tpu.memory_space<semaphore_mem>>
      %dma_start3A_58 = arith.constant 0 : i32
      %dma_start3A_59 = tpu.memref_slice %arg22[%add3A_11, %dma_start3A_58] : memref<10240x144xf32, #tpu.memory_space<vmem_shared>> -> memref<80x144xf32, #tpu.memory_space<vmem_shared>>
      %dma_start3A_60 = arith.constant 0 : i32
      %dma_start3A_61 = tpu.memref_slice %arg22[%add3A_11, %dma_start3A_60] : memref<10240x144xf32, #tpu.memory_space<vmem_shared>> -> memref<80x144xf32, #tpu.memory_space<vmem_shared>>
      tpu.enqueue_dma source(%arg13 : memref<80x144xf32, #tpu.memory_space<vmem>>) target(%dma_start3A_61 : memref<80x144xf32, #tpu.memory_space<vmem_shared>>) target_semaphore(%run_scoped3A : memref<!tpu.dma_semaphore, #tpu.memory_space<semaphore_mem>>)
      %dma_wait3A_62 = arith.constant 0 : i32
      %dma_wait3A_63 = tpu.memref_slice %arg22[%add3A_11, %dma_wait3A_62] : memref<10240x144xf32, #tpu.memory_space<vmem_shared>> -> memref<80x144xf32, #tpu.memory_space<vmem_shared>>
      %dma_wait3A_64 = arith.constant 0 : i32
      %dma_wait3A_65 = tpu.memref_slice %arg22[%add3A_11, %dma_wait3A_64] : memref<10240x144xf32, #tpu.memory_space<vmem_shared>> -> memref<80x144xf32, #tpu.memory_space<vmem_shared>>
      tpu.wait_dma2 semaphore(%run_scoped3A : memref<!tpu.dma_semaphore, #tpu.memory_space<semaphore_mem>>) src(%arg13 : memref<80x144xf32, #tpu.memory_space<vmem>>) dst(%dma_wait3A_65 : memref<80x144xf32, #tpu.memory_space<vmem_shared>>)
      tpu.yield
    }) : () -> ()
    %add3A_12 = arith.constant 160 : i32
    %add3A_13 = arith.addi %mul3A_8, %add3A_12 : i32
    "tpu.region"() ({
      %run_scoped3A = tpu.sem_alloc : memref<!tpu.dma_semaphore, #tpu.memory_space<semaphore_mem>>
      %dma_start3A_58 = arith.constant 0 : i32
      %dma_start3A_59 = tpu.memref_slice %arg22[%add3A_13, %dma_start3A_58] : memref<10240x144xf32, #tpu.memory_space<vmem_shared>> -> memref<80x144xf32, #tpu.memory_space<vmem_shared>>
      %dma_start3A_60 = arith.constant 0 : i32
      %dma_start3A_61 = tpu.memref_slice %arg22[%add3A_13, %dma_start3A_60] : memref<10240x144xf32, #tpu.memory_space<vmem_shared>> -> memref<80x144xf32, #tpu.memory_space<vmem_shared>>
      tpu.enqueue_dma source(%arg13 : memref<80x144xf32, #tpu.memory_space<vmem>>) target(%dma_start3A_61 : memref<80x144xf32, #tpu.memory_space<vmem_shared>>) target_semaphore(%run_scoped3A : memref<!tpu.dma_semaphore, #tpu.memory_space<semaphore_mem>>)
      %dma_wait3A_62 = arith.constant 0 : i32
      %dma_wait3A_63 = tpu.memref_slice %arg22[%add3A_13, %dma_wait3A_62] : memref<10240x144xf32, #tpu.memory_space<vmem_shared>> -> memref<80x144xf32, #tpu.memory_space<vmem_shared>>
      %dma_wait3A_64 = arith.constant 0 : i32
      %dma_wait3A_65 = tpu.memref_slice %arg22[%add3A_13, %dma_wait3A_64] : memref<10240x144xf32, #tpu.memory_space<vmem_shared>> -> memref<80x144xf32, #tpu.memory_space<vmem_shared>>
      tpu.wait_dma2 semaphore(%run_scoped3A : memref<!tpu.dma_semaphore, #tpu.memory_space<semaphore_mem>>) src(%arg13 : memref<80x144xf32, #tpu.memory_space<vmem>>) dst(%dma_wait3A_65 : memref<80x144xf32, #tpu.memory_space<vmem_shared>>)
      tpu.yield
    }) : () -> ()
    %add3A_14 = arith.constant 240 : i32
    %add3A_15 = arith.addi %mul3A_8, %add3A_14 : i32
    "tpu.region"() ({
      %run_scoped3A = tpu.sem_alloc : memref<!tpu.dma_semaphore, #tpu.memory_space<semaphore_mem>>
      %dma_start3A_58 = arith.constant 0 : i32
      %dma_start3A_59 = tpu.memref_slice %arg22[%add3A_15, %dma_start3A_58] : memref<10240x144xf32, #tpu.memory_space<vmem_shared>> -> memref<80x144xf32, #tpu.memory_space<vmem_shared>>
      %dma_start3A_60 = arith.constant 0 : i32
      %dma_start3A_61 = tpu.memref_slice %arg22[%add3A_15, %dma_start3A_60] : memref<10240x144xf32, #tpu.memory_space<vmem_shared>> -> memref<80x144xf32, #tpu.memory_space<vmem_shared>>
      tpu.enqueue_dma source(%arg13 : memref<80x144xf32, #tpu.memory_space<vmem>>) target(%dma_start3A_61 : memref<80x144xf32, #tpu.memory_space<vmem_shared>>) target_semaphore(%run_scoped3A : memref<!tpu.dma_semaphore, #tpu.memory_space<semaphore_mem>>)
      %dma_wait3A_62 = arith.constant 0 : i32
      %dma_wait3A_63 = tpu.memref_slice %arg22[%add3A_15, %dma_wait3A_62] : memref<10240x144xf32, #tpu.memory_space<vmem_shared>> -> memref<80x144xf32, #tpu.memory_space<vmem_shared>>
      %dma_wait3A_64 = arith.constant 0 : i32
      %dma_wait3A_65 = tpu.memref_slice %arg22[%add3A_15, %dma_wait3A_64] : memref<10240x144xf32, #tpu.memory_space<vmem_shared>> -> memref<80x144xf32, #tpu.memory_space<vmem_shared>>
      tpu.wait_dma2 semaphore(%run_scoped3A : memref<!tpu.dma_semaphore, #tpu.memory_space<semaphore_mem>>) src(%arg13 : memref<80x144xf32, #tpu.memory_space<vmem>>) dst(%dma_wait3A_65 : memref<80x144xf32, #tpu.memory_space<vmem_shared>>)
      tpu.yield
    }) : () -> ()
    %add3A_16 = arith.constant 320 : i32
    %add3A_17 = arith.addi %mul3A_8, %add3A_16 : i32
    "tpu.region"() ({
      %run_scoped3A = tpu.sem_alloc : memref<!tpu.dma_semaphore, #tpu.memory_space<semaphore_mem>>
      %dma_start3A_58 = arith.constant 0 : i32
      %dma_start3A_59 = tpu.memref_slice %arg22[%add3A_17, %dma_start3A_58] : memref<10240x144xf32, #tpu.memory_space<vmem_shared>> -> memref<80x144xf32, #tpu.memory_space<vmem_shared>>
      %dma_start3A_60 = arith.constant 0 : i32
      %dma_start3A_61 = tpu.memref_slice %arg22[%add3A_17, %dma_start3A_60] : memref<10240x144xf32, #tpu.memory_space<vmem_shared>> -> memref<80x144xf32, #tpu.memory_space<vmem_shared>>
      tpu.enqueue_dma source(%arg13 : memref<80x144xf32, #tpu.memory_space<vmem>>) target(%dma_start3A_61 : memref<80x144xf32, #tpu.memory_space<vmem_shared>>) target_semaphore(%run_scoped3A : memref<!tpu.dma_semaphore, #tpu.memory_space<semaphore_mem>>)
      %dma_wait3A_62 = arith.constant 0 : i32
      %dma_wait3A_63 = tpu.memref_slice %arg22[%add3A_17, %dma_wait3A_62] : memref<10240x144xf32, #tpu.memory_space<vmem_shared>> -> memref<80x144xf32, #tpu.memory_space<vmem_shared>>
      %dma_wait3A_64 = arith.constant 0 : i32
      %dma_wait3A_65 = tpu.memref_slice %arg22[%add3A_17, %dma_wait3A_64] : memref<10240x144xf32, #tpu.memory_space<vmem_shared>> -> memref<80x144xf32, #tpu.memory_space<vmem_shared>>
      tpu.wait_dma2 semaphore(%run_scoped3A : memref<!tpu.dma_semaphore, #tpu.memory_space<semaphore_mem>>) src(%arg13 : memref<80x144xf32, #tpu.memory_space<vmem>>) dst(%dma_wait3A_65 : memref<80x144xf32, #tpu.memory_space<vmem_shared>>)
      tpu.yield
    }) : () -> ()
    %add3A_18 = arith.constant 400 : i32
    %add3A_19 = arith.addi %mul3A_8, %add3A_18 : i32
    "tpu.region"() ({
      %run_scoped3A = tpu.sem_alloc : memref<!tpu.dma_semaphore, #tpu.memory_space<semaphore_mem>>
      %dma_start3A_58 = arith.constant 0 : i32
      %dma_start3A_59 = tpu.memref_slice %arg22[%add3A_19, %dma_start3A_58] : memref<10240x144xf32, #tpu.memory_space<vmem_shared>> -> memref<80x144xf32, #tpu.memory_space<vmem_shared>>
      %dma_start3A_60 = arith.constant 0 : i32
      %dma_start3A_61 = tpu.memref_slice %arg22[%add3A_19, %dma_start3A_60] : memref<10240x144xf32, #tpu.memory_space<vmem_shared>> -> memref<80x144xf32, #tpu.memory_space<vmem_shared>>
      tpu.enqueue_dma source(%arg13 : memref<80x144xf32, #tpu.memory_space<vmem>>) target(%dma_start3A_61 : memref<80x144xf32, #tpu.memory_space<vmem_shared>>) target_semaphore(%run_scoped3A : memref<!tpu.dma_semaphore, #tpu.memory_space<semaphore_mem>>)
      %dma_wait3A_62 = arith.constant 0 : i32
      %dma_wait3A_63 = tpu.memref_slice %arg22[%add3A_19, %dma_wait3A_62] : memref<10240x144xf32, #tpu.memory_space<vmem_shared>> -> memref<80x144xf32, #tpu.memory_space<vmem_shared>>
      %dma_wait3A_64 = arith.constant 0 : i32
      %dma_wait3A_65 = tpu.memref_slice %arg22[%add3A_19, %dma_wait3A_64] : memref<10240x144xf32, #tpu.memory_space<vmem_shared>> -> memref<80x144xf32, #tpu.memory_space<vmem_shared>>
      tpu.wait_dma2 semaphore(%run_scoped3A : memref<!tpu.dma_semaphore, #tpu.memory_space<semaphore_mem>>) src(%arg13 : memref<80x144xf32, #tpu.memory_space<vmem>>) dst(%dma_wait3A_65 : memref<80x144xf32, #tpu.memory_space<vmem_shared>>)
      tpu.yield
    }) : () -> ()
    %add3A_20 = arith.constant 480 : i32
    %add3A_21 = arith.addi %mul3A_8, %add3A_20 : i32
    "tpu.region"() ({
      %run_scoped3A = tpu.sem_alloc : memref<!tpu.dma_semaphore, #tpu.memory_space<semaphore_mem>>
      %dma_start3A_58 = arith.constant 0 : i32
      %dma_start3A_59 = tpu.memref_slice %arg22[%add3A_21, %dma_start3A_58] : memref<10240x144xf32, #tpu.memory_space<vmem_shared>> -> memref<80x144xf32, #tpu.memory_space<vmem_shared>>
      %dma_start3A_60 = arith.constant 0 : i32
      %dma_start3A_61 = tpu.memref_slice %arg22[%add3A_21, %dma_start3A_60] : memref<10240x144xf32, #tpu.memory_space<vmem_shared>> -> memref<80x144xf32, #tpu.memory_space<vmem_shared>>
      tpu.enqueue_dma source(%arg13 : memref<80x144xf32, #tpu.memory_space<vmem>>) target(%dma_start3A_61 : memref<80x144xf32, #tpu.memory_space<vmem_shared>>) target_semaphore(%run_scoped3A : memref<!tpu.dma_semaphore, #tpu.memory_space<semaphore_mem>>)
      %dma_wait3A_62 = arith.constant 0 : i32
      %dma_wait3A_63 = tpu.memref_slice %arg22[%add3A_21, %dma_wait3A_62] : memref<10240x144xf32, #tpu.memory_space<vmem_shared>> -> memref<80x144xf32, #tpu.memory_space<vmem_shared>>
      %dma_wait3A_64 = arith.constant 0 : i32
      %dma_wait3A_65 = tpu.memref_slice %arg22[%add3A_21, %dma_wait3A_64] : memref<10240x144xf32, #tpu.memory_space<vmem_shared>> -> memref<80x144xf32, #tpu.memory_space<vmem_shared>>
      tpu.wait_dma2 semaphore(%run_scoped3A : memref<!tpu.dma_semaphore, #tpu.memory_space<semaphore_mem>>) src(%arg13 : memref<80x144xf32, #tpu.memory_space<vmem>>) dst(%dma_wait3A_65 : memref<80x144xf32, #tpu.memory_space<vmem_shared>>)
      tpu.yield
    }) : () -> ()
    %add3A_22 = arith.constant 560 : i32
    %add3A_23 = arith.addi %mul3A_8, %add3A_22 : i32
    "tpu.region"() ({
      %run_scoped3A = tpu.sem_alloc : memref<!tpu.dma_semaphore, #tpu.memory_space<semaphore_mem>>
      %dma_start3A_58 = arith.constant 0 : i32
      %dma_start3A_59 = tpu.memref_slice %arg22[%add3A_23, %dma_start3A_58] : memref<10240x144xf32, #tpu.memory_space<vmem_shared>> -> memref<80x144xf32, #tpu.memory_space<vmem_shared>>
      %dma_start3A_60 = arith.constant 0 : i32
      %dma_start3A_61 = tpu.memref_slice %arg22[%add3A_23, %dma_start3A_60] : memref<10240x144xf32, #tpu.memory_space<vmem_shared>> -> memref<80x144xf32, #tpu.memory_space<vmem_shared>>
      tpu.enqueue_dma source(%arg13 : memref<80x144xf32, #tpu.memory_space<vmem>>) target(%dma_start3A_61 : memref<80x144xf32, #tpu.memory_space<vmem_shared>>) target_semaphore(%run_scoped3A : memref<!tpu.dma_semaphore, #tpu.memory_space<semaphore_mem>>)
      %dma_wait3A_62 = arith.constant 0 : i32
      %dma_wait3A_63 = tpu.memref_slice %arg22[%add3A_23, %dma_wait3A_62] : memref<10240x144xf32, #tpu.memory_space<vmem_shared>> -> memref<80x144xf32, #tpu.memory_space<vmem_shared>>
      %dma_wait3A_64 = arith.constant 0 : i32
      %dma_wait3A_65 = tpu.memref_slice %arg22[%add3A_23, %dma_wait3A_64] : memref<10240x144xf32, #tpu.memory_space<vmem_shared>> -> memref<80x144xf32, #tpu.memory_space<vmem_shared>>
      tpu.wait_dma2 semaphore(%run_scoped3A : memref<!tpu.dma_semaphore, #tpu.memory_space<semaphore_mem>>) src(%arg13 : memref<80x144xf32, #tpu.memory_space<vmem>>) dst(%dma_wait3A_65 : memref<80x144xf32, #tpu.memory_space<vmem_shared>>)
      tpu.yield
    }) : () -> ()
    %mul3A_24 = arith.constant 2 : i32
    %mul3A_25 = arith.muli %arg1, %mul3A_24 : i32
    %add3A_26 = arith.addi %mul3A_25, %arg0 : i32
    %mul3A_27 = arith.constant 126 : i32
    %mul3A_28 = arith.muli %add3A_26, %mul3A_27 : i32
    "tpu.region"() ({
      %run_scoped3A = tpu.sem_alloc : memref<!tpu.dma_semaphore, #tpu.memory_space<semaphore_mem>>
      %dma_start3A_58 = arith.constant 0 : i32
      %dma_start3A_59 = arith.constant 0 : i32
      %dma_start3A_60 = tpu.memref_slice %arg2[%dma_start3A_58, %mul3A_28, %dma_start3A_59] : memref<2x4032x80xi32, #tpu.memory_space<hbm>> -> memref<2x1x80xi32, #tpu.memory_space<hbm>>
      %dma_start3A_61 = tpu.memref_squeeze %dma_start3A_60 : memref<2x1x80xi32, #tpu.memory_space<hbm>> -> memref<2x80xi32, #tpu.memory_space<hbm>>
      %dma_start3A_62 = arith.constant 0 : i32
      %dma_start3A_63 = arith.constant 0 : i32
      %dma_start3A_64 = tpu.memref_slice %arg2[%dma_start3A_62, %mul3A_28, %dma_start3A_63] : memref<2x4032x80xi32, #tpu.memory_space<hbm>> -> memref<2x1x80xi32, #tpu.memory_space<hbm>>
      %dma_start3A_65 = tpu.memref_squeeze %dma_start3A_64 : memref<2x1x80xi32, #tpu.memory_space<hbm>> -> memref<2x80xi32, #tpu.memory_space<hbm>>
      tpu.enqueue_dma source(%dma_start3A_65 : memref<2x80xi32, #tpu.memory_space<hbm>>) target(%arg6 : memref<2x80xi32, #tpu.memory_space<vmem>>) target_semaphore(%run_scoped3A : memref<!tpu.dma_semaphore, #tpu.memory_space<semaphore_mem>>)
      %dma_wait3A_66 = arith.constant 0 : i32
      %dma_wait3A_67 = arith.constant 0 : i32
      %dma_wait3A_68 = tpu.memref_slice %arg2[%dma_wait3A_66, %mul3A_28, %dma_wait3A_67] : memref<2x4032x80xi32, #tpu.memory_space<hbm>> -> memref<2x1x80xi32, #tpu.memory_space<hbm>>
      %dma_wait3A_69 = tpu.memref_squeeze %dma_wait3A_68 : memref<2x1x80xi32, #tpu.memory_space<hbm>> -> memref<2x80xi32, #tpu.memory_space<hbm>>
      %dma_wait3A_70 = arith.constant 0 : i32
      %dma_wait3A_71 = arith.constant 0 : i32
      %dma_wait3A_72 = tpu.memref_slice %arg2[%dma_wait3A_70, %mul3A_28, %dma_wait3A_71] : memref<2x4032x80xi32, #tpu.memory_space<hbm>> -> memref<2x1x80xi32, #tpu.memory_space<hbm>>
      %dma_wait3A_73 = tpu.memref_squeeze %dma_wait3A_72 : memref<2x1x80xi32, #tpu.memory_space<hbm>> -> memref<2x80xi32, #tpu.memory_space<hbm>>
      tpu.wait_dma2 semaphore(%run_scoped3A : memref<!tpu.dma_semaphore, #tpu.memory_space<semaphore_mem>>) src(%dma_wait3A_73 : memref<2x80xi32, #tpu.memory_space<hbm>>) dst(%arg6 : memref<2x80xi32, #tpu.memory_space<vmem>>)
      tpu.yield
    }) : () -> ()
    %dma_start3A = arith.constant 0 : i32
    %dma_start3A_29 = arith.constant 0 : i32
    %dma_start3A_30 = tpu.memref_slice %arg6[%dma_start3A, %dma_start3A_29] : memref<2x80xi32, #tpu.memory_space<vmem>> -> memref<1x80xi32, #tpu.memory_space<vmem>>
    %dma_start3A_31 = tpu.memref_squeeze %dma_start3A_30 : memref<1x80xi32, #tpu.memory_space<vmem>> -> memref<80xi32, #tpu.memory_space<vmem>>
    %dma_start3A_32 = arith.constant 0 : i32
    %dma_start3A_33 = arith.constant 0 : i32
    %dma_start3A_34 = tpu.memref_slice %arg3[%dma_start3A_32, %dma_start3A_33] : memref<10240x16xf32, #tpu.memory_space<hbm>> -> memref<10240x16xf32, #tpu.memory_space<hbm>>
    tpu.enqueue_indirect_dma source(%dma_start3A_34 : memref<10240x16xf32, #tpu.memory_space<hbm>>) target(%arg8 : memref<80x16xf32, #tpu.memory_space<vmem>>) offsets(%dma_start3A_31 : memref<80xi32, #tpu.memory_space<vmem>>) semaphore(%arg16 : memref<!tpu.dma_semaphore, #tpu.memory_space<semaphore_mem>>)
    %dma_start3A_35 = arith.constant 1 : i32
    %dma_start3A_36 = arith.constant 0 : i32
    %dma_start3A_37 = tpu.memref_slice %arg6[%dma_start3A_35, %dma_start3A_36] : memref<2x80xi32, #tpu.memory_space<vmem>> -> memref<1x80xi32, #tpu.memory_space<vmem>>
    %dma_start3A_38 = tpu.memref_squeeze %dma_start3A_37 : memref<1x80xi32, #tpu.memory_space<vmem>> -> memref<80xi32, #tpu.memory_space<vmem>>
    %dma_start3A_39 = arith.constant 0 : i32
    %dma_start3A_40 = arith.constant 0 : i32
    %dma_start3A_41 = tpu.memref_slice %arg4[%dma_start3A_39, %dma_start3A_40] : memref<10240x160xbf16, #tpu.memory_space<hbm>> -> memref<10240x160xbf16, #tpu.memory_space<hbm>>
    tpu.enqueue_indirect_dma source(%dma_start3A_41 : memref<10240x160xbf16, #tpu.memory_space<hbm>>) target(%arg10 : memref<80x160xbf16, #tpu.memory_space<vmem>>) offsets(%dma_start3A_38 : memref<80xi32, #tpu.memory_space<vmem>>) semaphore(%arg18 : memref<!tpu.dma_semaphore, #tpu.memory_space<semaphore_mem>>)
    %barrier3A = arith.constant 0 : index
    tpu.barrier barrier_id(%barrier3A)
    %scan3A_42 = arith.constant 0 : i32
    %scan3A_43 = arith.constant 0 : i32
    %scan3A_44 = arith.constant 63 : i32
    %scan3A_45 = arith.addi %scan3A_43, %scan3A_44 : i32
    %scan3A_46 = arith.constant 1 : i32
    scf.for %scan3A_58 = %scan3A_43 to %scan3A_45 step %scan3A_46  : i32 {
      %mul3A_59 = arith.constant 2 : i32
      %mul3A_60 = arith.muli %mul3A_59, %scan3A_58 : i32
      %add3A_61 = arith.addi %mul3A_28, %mul3A_60 : i32
      %add3A_62 = arith.constant 1 : i32
      %add3A_63 = arith.addi %add3A_61, %add3A_62 : i32
      "tpu.region"() ({
        %run_scoped3A = tpu.sem_alloc : memref<!tpu.dma_semaphore, #tpu.memory_space<semaphore_mem>>
        %dma_start3A_187 = arith.constant 0 : i32
        %dma_start3A_188 = arith.constant 0 : i32
        %dma_start3A_189 = tpu.memref_slice %arg2[%dma_start3A_187, %add3A_63, %dma_start3A_188] : memref<2x4032x80xi32, #tpu.memory_space<hbm>> -> memref<2x1x80xi32, #tpu.memory_space<hbm>>
        %dma_start3A_190 = tpu.memref_squeeze %dma_start3A_189 : memref<2x1x80xi32, #tpu.memory_space<hbm>> -> memref<2x80xi32, #tpu.memory_space<hbm>>
        %dma_start3A_191 = arith.constant 0 : i32
        %dma_start3A_192 = arith.constant 0 : i32
        %dma_start3A_193 = tpu.memref_slice %arg2[%dma_start3A_191, %add3A_63, %dma_start3A_192] : memref<2x4032x80xi32, #tpu.memory_space<hbm>> -> memref<2x1x80xi32, #tpu.memory_space<hbm>>
        %dma_start3A_194 = tpu.memref_squeeze %dma_start3A_193 : memref<2x1x80xi32, #tpu.memory_space<hbm>> -> memref<2x80xi32, #tpu.memory_space<hbm>>
        tpu.enqueue_dma source(%dma_start3A_194 : memref<2x80xi32, #tpu.memory_space<hbm>>) target(%arg7 : memref<2x80xi32, #tpu.memory_space<vmem>>) target_semaphore(%run_scoped3A : memref<!tpu.dma_semaphore, #tpu.memory_space<semaphore_mem>>)
        %dma_wait3A_195 = arith.constant 0 : i32
        %dma_wait3A_196 = arith.constant 0 : i32
        %dma_wait3A_197 = tpu.memref_slice %arg2[%dma_wait3A_195, %add3A_63, %dma_wait3A_196] : memref<2x4032x80xi32, #tpu.memory_space<hbm>> -> memref<2x1x80xi32, #tpu.memory_space<hbm>>
        %dma_wait3A_198 = tpu.memref_squeeze %dma_wait3A_197 : memref<2x1x80xi32, #tpu.memory_space<hbm>> -> memref<2x80xi32, #tpu.memory_space<hbm>>
        %dma_wait3A_199 = arith.constant 0 : i32
        %dma_wait3A_200 = arith.constant 0 : i32
        %dma_wait3A_201 = tpu.memref_slice %arg2[%dma_wait3A_199, %add3A_63, %dma_wait3A_200] : memref<2x4032x80xi32, #tpu.memory_space<hbm>> -> memref<2x1x80xi32, #tpu.memory_space<hbm>>
        %dma_wait3A_202 = tpu.memref_squeeze %dma_wait3A_201 : memref<2x1x80xi32, #tpu.memory_space<hbm>> -> memref<2x80xi32, #tpu.memory_space<hbm>>
        tpu.wait_dma2 semaphore(%run_scoped3A : memref<!tpu.dma_semaphore, #tpu.memory_space<semaphore_mem>>) src(%dma_wait3A_202 : memref<2x80xi32, #tpu.memory_space<hbm>>) dst(%arg7 : memref<2x80xi32, #tpu.memory_space<vmem>>)
        tpu.yield
      }) : () -> ()
      %dma_start3A_64 = arith.constant 0 : i32
      %dma_start3A_65 = arith.constant 0 : i32
      %dma_start3A_66 = tpu.memref_slice %arg7[%dma_start3A_64, %dma_start3A_65] : memref<2x80xi32, #tpu.memory_space<vmem>> -> memref<1x80xi32, #tpu.memory_space<vmem>>
      %dma_start3A_67 = tpu.memref_squeeze %dma_start3A_66 : memref<1x80xi32, #tpu.memory_space<vmem>> -> memref<80xi32, #tpu.memory_space<vmem>>
      %dma_start3A_68 = arith.constant 0 : i32
      %dma_start3A_69 = arith.constant 0 : i32
      %dma_start3A_70 = tpu.memref_slice %arg3[%dma_start3A_68, %dma_start3A_69] : memref<10240x16xf32, #tpu.memory_space<hbm>> -> memref<10240x16xf32, #tpu.memory_space<hbm>>
      tpu.enqueue_indirect_dma source(%dma_start3A_70 : memref<10240x16xf32, #tpu.memory_space<hbm>>) target(%arg9 : memref<80x16xf32, #tpu.memory_space<vmem>>) offsets(%dma_start3A_67 : memref<80xi32, #tpu.memory_space<vmem>>) semaphore(%arg17 : memref<!tpu.dma_semaphore, #tpu.memory_space<semaphore_mem>>)
      %dma_start3A_71 = arith.constant 1 : i32
      %dma_start3A_72 = arith.constant 0 : i32
      %dma_start3A_73 = tpu.memref_slice %arg7[%dma_start3A_71, %dma_start3A_72] : memref<2x80xi32, #tpu.memory_space<vmem>> -> memref<1x80xi32, #tpu.memory_space<vmem>>
      %dma_start3A_74 = tpu.memref_squeeze %dma_start3A_73 : memref<1x80xi32, #tpu.memory_space<vmem>> -> memref<80xi32, #tpu.memory_space<vmem>>
      %dma_start3A_75 = arith.constant 0 : i32
      %dma_start3A_76 = arith.constant 0 : i32
      %dma_start3A_77 = tpu.memref_slice %arg4[%dma_start3A_75, %dma_start3A_76] : memref<10240x160xbf16, #tpu.memory_space<hbm>> -> memref<10240x160xbf16, #tpu.memory_space<hbm>>
      tpu.enqueue_indirect_dma source(%dma_start3A_77 : memref<10240x160xbf16, #tpu.memory_space<hbm>>) target(%arg11 : memref<80x160xbf16, #tpu.memory_space<vmem>>) offsets(%dma_start3A_74 : memref<80xi32, #tpu.memory_space<vmem>>) semaphore(%arg19 : memref<!tpu.dma_semaphore, #tpu.memory_space<semaphore_mem>>)
      %dma_wait3A_78 = arith.constant 0 : i32
      %dma_wait3A_79 = arith.constant 0 : i32
      %dma_wait3A_80 = tpu.memref_slice %arg6[%dma_wait3A_78, %dma_wait3A_79] : memref<2x80xi32, #tpu.memory_space<vmem>> -> memref<1x80xi32, #tpu.memory_space<vmem>>
      %dma_wait3A_81 = tpu.memref_squeeze %dma_wait3A_80 : memref<1x80xi32, #tpu.memory_space<vmem>> -> memref<80xi32, #tpu.memory_space<vmem>>
      %dma_wait3A_82 = arith.constant 0 : i32
      %dma_wait3A_83 = arith.constant 0 : i32
      %dma_wait3A_84 = tpu.memref_slice %arg3[%dma_wait3A_82, %dma_wait3A_83] : memref<10240x16xf32, #tpu.memory_space<hbm>> -> memref<10240x16xf32, #tpu.memory_space<hbm>>
      tpu.wait_indirect_dma semaphore(%arg16 : memref<!tpu.dma_semaphore, #tpu.memory_space<semaphore_mem>>) src(%dma_wait3A_84 : memref<10240x16xf32, #tpu.memory_space<hbm>>) dst(%arg8 : memref<80x16xf32, #tpu.memory_space<vmem>>)
      %dma_wait3A_85 = arith.constant 1 : i32
      %dma_wait3A_86 = arith.constant 0 : i32
      %dma_wait3A_87 = tpu.memref_slice %arg6[%dma_wait3A_85, %dma_wait3A_86] : memref<2x80xi32, #tpu.memory_space<vmem>> -> memref<1x80xi32, #tpu.memory_space<vmem>>
      %dma_wait3A_88 = tpu.memref_squeeze %dma_wait3A_87 : memref<1x80xi32, #tpu.memory_space<vmem>> -> memref<80xi32, #tpu.memory_space<vmem>>
      %dma_wait3A_89 = arith.constant 0 : i32
      %dma_wait3A_90 = arith.constant 0 : i32
      %dma_wait3A_91 = tpu.memref_slice %arg4[%dma_wait3A_89, %dma_wait3A_90] : memref<10240x160xbf16, #tpu.memory_space<hbm>> -> memref<10240x160xbf16, #tpu.memory_space<hbm>>
      tpu.wait_indirect_dma semaphore(%arg18 : memref<!tpu.dma_semaphore, #tpu.memory_space<semaphore_mem>>) src(%dma_wait3A_91 : memref<10240x160xbf16, #tpu.memory_space<hbm>>) dst(%arg10 : memref<80x160xbf16, #tpu.memory_space<vmem>>)
      %gt3A = arith.constant 0 : i32
      %gt3A_92 = arith.cmpi sgt, %scan3A_58, %gt3A : i32
      %convert_element_type3A = arith.extui %gt3A_92 : i1 to i32
      %cond3A = arith.constant 0 : i32
      %cond3A_93 = arith.cmpi ne, %convert_element_type3A, %cond3A : i32
      scf.if %cond3A_93 {
        %dma_wait3A_187 = arith.constant 0 : i32
        %dma_wait3A_188 = arith.constant 0 : i32
        %dma_wait3A_189 = tpu.memref_slice %arg22[%dma_wait3A_187, %dma_wait3A_188] : memref<10240x144xf32, #tpu.memory_space<vmem_shared>> -> memref<10240x144xf32, #tpu.memory_space<vmem_shared>>
        tpu.wait_indirect_dma semaphore(%arg20 : memref<!tpu.dma_semaphore, #tpu.memory_space<semaphore_mem>>) src(%arg12 : memref<80x144xf32, #tpu.memory_space<vmem>>) dst(%dma_wait3A_189 : memref<10240x144xf32, #tpu.memory_space<vmem_shared>>)
      } else {
      }
      %get3A = arith.constant 0 : i32
      %get3A_94 = arith.index_cast %get3A : i32 to index
      %get3A_95 = arith.constant 0 : index
      %get3A_96 = tpu.vector_load %arg6[%get3A_94, %get3A_95] {strides = array<i32>} : memref<2x80xi32, #tpu.memory_space<vmem>>, vector<16xi32>,
      %swap3A = arith.constant 0 : index
      %swap3A_97 = tpu.vector_load %arg14[%swap3A] {strides = array<i32>} : memref<80xi32, #tpu.memory_space<vmem>>, vector<16xi32>,
      tpu.vector_store %arg14[%swap3A], %get3A_96 {strides = array<i32>} : memref<80xi32, #tpu.memory_space<vmem>>, vector<16xi32>,
      %get3A_98 = arith.constant 0 : i32
      %get3A_99 = arith.index_cast %get3A_98 : i32 to index
      %get3A_100 = arith.constant 16 : index
      %get3A_101 = tpu.vector_load %arg6[%get3A_99, %get3A_100] {strides = array<i32>} : memref<2x80xi32, #tpu.memory_space<vmem>>, vector<16xi32>,
      %swap3A_102 = arith.constant 16 : index
      %swap3A_103 = tpu.vector_load %arg14[%swap3A_102] {strides = array<i32>} : memref<80xi32, #tpu.memory_space<vmem>>, vector<16xi32>,
      tpu.vector_store %arg14[%swap3A_102], %get3A_101 {strides = array<i32>} : memref<80xi32, #tpu.memory_space<vmem>>, vector<16xi32>,
      %get3A_104 = arith.constant 0 : i32
      %get3A_105 = arith.index_cast %get3A_104 : i32 to index
      %get3A_106 = arith.constant 32 : index
      %get3A_107 = tpu.vector_load %arg6[%get3A_105, %get3A_106] {strides = array<i32>} : memref<2x80xi32, #tpu.memory_space<vmem>>, vector<16xi32>,
      %swap3A_108 = arith.constant 32 : index
      %swap3A_109 = tpu.vector_load %arg14[%swap3A_108] {strides = array<i32>} : memref<80xi32, #tpu.memory_space<vmem>>, vector<16xi32>,
      tpu.vector_store %arg14[%swap3A_108], %get3A_107 {strides = array<i32>} : memref<80xi32, #tpu.memory_space<vmem>>, vector<16xi32>,
      %get3A_110 = arith.constant 0 : i32
      %get3A_111 = arith.index_cast %get3A_110 : i32 to index
      %get3A_112 = arith.constant 48 : index
      %get3A_113 = tpu.vector_load %arg6[%get3A_111, %get3A_112] {strides = array<i32>} : memref<2x80xi32, #tpu.memory_space<vmem>>, vector<16xi32>,
      %swap3A_114 = arith.constant 48 : index
      %swap3A_115 = tpu.vector_load %arg14[%swap3A_114] {strides = array<i32>} : memref<80xi32, #tpu.memory_space<vmem>>, vector<16xi32>,
      tpu.vector_store %arg14[%swap3A_114], %get3A_113 {strides = array<i32>} : memref<80xi32, #tpu.memory_space<vmem>>, vector<16xi32>,
      %get3A_116 = arith.constant 0 : i32
      %get3A_117 = arith.index_cast %get3A_116 : i32 to index
      %get3A_118 = arith.constant 64 : index
      %get3A_119 = tpu.vector_load %arg6[%get3A_117, %get3A_118] {strides = array<i32>} : memref<2x80xi32, #tpu.memory_space<vmem>>, vector<16xi32>,
      %swap3A_120 = arith.constant 64 : index
      %swap3A_121 = tpu.vector_load %arg14[%swap3A_120] {strides = array<i32>} : memref<80xi32, #tpu.memory_space<vmem>>, vector<16xi32>,
      tpu.vector_store %arg14[%swap3A_120], %get3A_119 {strides = array<i32>} : memref<80xi32, #tpu.memory_space<vmem>>, vector<16xi32>,
      %parallel_loop3A = arith.constant 0 : i32
      %parallel_loop3A_122 = arith.constant 80 : i32
      %parallel_loop3A_123 = arith.constant 1 : i32
      scf.for %parallel_loop3A_187 = %parallel_loop3A to %parallel_loop3A_122 step %parallel_loop3A_123  : i32 {
        %parallel_loop3A_188 = arith.index_cast %parallel_loop3A_187 : i32 to index
        %parallel_loop3A_189 = arith.constant 128 : index
        %parallel_loop3A_190 = tpu.vector_load %arg10[%parallel_loop3A_188, %parallel_loop3A_189] {strides = array<i32>} : memref<80x160xbf16, #tpu.memory_space<vmem>>, vector<32xbf16>,
        %parallel_loop3A_191 = tpu.unpack_subelements %parallel_loop3A_190, 0 {pack_format = #tpu.pack_format<interleaved>} : vector<32xbf16> -> vector<16xf32>
        %parallel_loop3A_192 = tpu.unpack_subelements %parallel_loop3A_190, 1 {pack_format = #tpu.pack_format<interleaved>} : vector<32xbf16> -> vector<16xf32>
        %parallel_loop3A_193 = arith.index_cast %parallel_loop3A_187 : i32 to index
        %parallel_loop3A_194 = arith.constant 0 : index
        %parallel_loop3A_195 = tpu.vector_load %arg8[%parallel_loop3A_193, %parallel_loop3A_194] {strides = array<i32>} : memref<80x16xf32, #tpu.memory_space<vmem>>, vector<16xf32>,
        %parallel_loop3A_196 = arith.addf %parallel_loop3A_195, %parallel_loop3A_191 : vector<16xf32>
        %parallel_loop3A_197 = arith.constant 0.000000e+00 : f32
        %parallel_loop3A_198 = vector.broadcast %parallel_loop3A_197 : f32 to vector<16xf32>
        %parallel_loop3A_199 = arith.cmpf oge, %parallel_loop3A_196, %parallel_loop3A_198 : vector<16xf32>
        %parallel_loop3A_200 = arith.constant 2.000000e-01 : f32
        %parallel_loop3A_201 = vector.broadcast %parallel_loop3A_200 : f32 to vector<16xf32>
        %parallel_loop3A_202 = arith.mulf %parallel_loop3A_201, %parallel_loop3A_196 : vector<16xf32>
        %parallel_loop3A_203 = arith.select %parallel_loop3A_199, %parallel_loop3A_196, %parallel_loop3A_202 : vector<16xi1>, vector<16xf32>
        %parallel_loop3A_204 = math.exp %parallel_loop3A_203 : vector<16xf32>
        %parallel_loop3A_205 = arith.constant 0.000000e+00 : f32
        %parallel_loop3A_206 = vector.broadcast %parallel_loop3A_205 : f32 to vector<16xf32>
        %parallel_loop3A_207 = arith.select %lt3A_1, %parallel_loop3A_204, %parallel_loop3A_206 : vector<16xi1>, vector<16xf32>
        %parallel_loop3A_208 = arith.index_cast %parallel_loop3A_187 : i32 to index
        %parallel_loop3A_209 = arith.constant 0 : index
        %parallel_loop3A_210 = tpu.vector_load %arg10[%parallel_loop3A_208, %parallel_loop3A_209] {strides = array<i32>} : memref<80x160xbf16, #tpu.memory_space<vmem>>, vector<32xbf16>,
        %parallel_loop3A_211 = tpu.unpack_subelements %parallel_loop3A_210, 0 {pack_format = #tpu.pack_format<interleaved>} : vector<32xbf16> -> vector<16xf32>
        %parallel_loop3A_212 = tpu.unpack_subelements %parallel_loop3A_210, 1 {pack_format = #tpu.pack_format<interleaved>} : vector<32xbf16> -> vector<16xf32>
        %parallel_loop3A_213 = vector.extract_strided_slice %parallel_loop3A_207 {offsets = [0], sizes = [1], strides = [1]} : vector<16xf32> to vector<1xf32>
        %parallel_loop3A_214 = vector.extract %parallel_loop3A_213[0] : f32 from vector<1xf32>
        %parallel_loop3A_215 = vector.extract_strided_slice %parallel_loop3A_207 {offsets = [1], sizes = [1], strides = [1]} : vector<16xf32> to vector<1xf32>
        %parallel_loop3A_216 = vector.extract %parallel_loop3A_215[0] : f32 from vector<1xf32>
        %parallel_loop3A_217 = vector.broadcast %parallel_loop3A_214 : f32 to vector<16xf32>
        %parallel_loop3A_218 = vector.broadcast %parallel_loop3A_216 : f32 to vector<16xf32>
        %parallel_loop3A_219 = arith.select %lt3A_1, %parallel_loop3A_217, %parallel_loop3A_218 : vector<16xi1>, vector<16xf32>
        %parallel_loop3A_220 = arith.mulf %parallel_loop3A_211, %parallel_loop3A_219 : vector<16xf32>
        %parallel_loop3A_221 = arith.index_cast %parallel_loop3A_187 : i32 to index
        %parallel_loop3A_222 = arith.constant 0 : index
        %parallel_loop3A_223 = tpu.vector_load %arg12[%parallel_loop3A_221, %parallel_loop3A_222] {strides = array<i32>} : memref<80x144xf32, #tpu.memory_space<vmem>>, vector<16xf32>,
        tpu.vector_store %arg12[%parallel_loop3A_221, %parallel_loop3A_222], %parallel_loop3A_220 {strides = array<i32>} : memref<80x144xf32, #tpu.memory_space<vmem>>, vector<16xf32>,
        %parallel_loop3A_224 = arith.mulf %parallel_loop3A_212, %parallel_loop3A_219 : vector<16xf32>
        %parallel_loop3A_225 = arith.index_cast %parallel_loop3A_187 : i32 to index
        %parallel_loop3A_226 = arith.constant 16 : index
        %parallel_loop3A_227 = tpu.vector_load %arg12[%parallel_loop3A_225, %parallel_loop3A_226] {strides = array<i32>} : memref<80x144xf32, #tpu.memory_space<vmem>>, vector<16xf32>,
        tpu.vector_store %arg12[%parallel_loop3A_225, %parallel_loop3A_226], %parallel_loop3A_224 {strides = array<i32>} : memref<80x144xf32, #tpu.memory_space<vmem>>, vector<16xf32>,
        %parallel_loop3A_228 = arith.index_cast %parallel_loop3A_187 : i32 to index
        %parallel_loop3A_229 = arith.constant 32 : index
        %parallel_loop3A_230 = tpu.vector_load %arg10[%parallel_loop3A_228, %parallel_loop3A_229] {strides = array<i32>} : memref<80x160xbf16, #tpu.memory_space<vmem>>, vector<32xbf16>,
        %parallel_loop3A_231 = tpu.unpack_subelements %parallel_loop3A_230, 0 {pack_format = #tpu.pack_format<interleaved>} : vector<32xbf16> -> vector<16xf32>
        %parallel_loop3A_232 = tpu.unpack_subelements %parallel_loop3A_230, 1 {pack_format = #tpu.pack_format<interleaved>} : vector<32xbf16> -> vector<16xf32>
        %parallel_loop3A_233 = vector.extract_strided_slice %parallel_loop3A_207 {offsets = [2], sizes = [1], strides = [1]} : vector<16xf32> to vector<1xf32>
        %parallel_loop3A_234 = vector.extract %parallel_loop3A_233[0] : f32 from vector<1xf32>
        %parallel_loop3A_235 = vector.extract_strided_slice %parallel_loop3A_207 {offsets = [3], sizes = [1], strides = [1]} : vector<16xf32> to vector<1xf32>
        %parallel_loop3A_236 = vector.extract %parallel_loop3A_235[0] : f32 from vector<1xf32>
        %parallel_loop3A_237 = vector.broadcast %parallel_loop3A_234 : f32 to vector<16xf32>
        %parallel_loop3A_238 = vector.broadcast %parallel_loop3A_236 : f32 to vector<16xf32>
        %parallel_loop3A_239 = arith.select %lt3A_1, %parallel_loop3A_237, %parallel_loop3A_238 : vector<16xi1>, vector<16xf32>
        %parallel_loop3A_240 = arith.mulf %parallel_loop3A_231, %parallel_loop3A_239 : vector<16xf32>
        %parallel_loop3A_241 = arith.index_cast %parallel_loop3A_187 : i32 to index
        %parallel_loop3A_242 = arith.constant 32 : index
        %parallel_loop3A_243 = tpu.vector_load %arg12[%parallel_loop3A_241, %parallel_loop3A_242] {strides = array<i32>} : memref<80x144xf32, #tpu.memory_space<vmem>>, vector<16xf32>,
        tpu.vector_store %arg12[%parallel_loop3A_241, %parallel_loop3A_242], %parallel_loop3A_240 {strides = array<i32>} : memref<80x144xf32, #tpu.memory_space<vmem>>, vector<16xf32>,
        %parallel_loop3A_244 = arith.mulf %parallel_loop3A_232, %parallel_loop3A_239 : vector<16xf32>
        %parallel_loop3A_245 = arith.index_cast %parallel_loop3A_187 : i32 to index
        %parallel_loop3A_246 = arith.constant 48 : index
        %parallel_loop3A_247 = tpu.vector_load %arg12[%parallel_loop3A_245, %parallel_loop3A_246] {strides = array<i32>} : memref<80x144xf32, #tpu.memory_space<vmem>>, vector<16xf32>,
        tpu.vector_store %arg12[%parallel_loop3A_245, %parallel_loop3A_246], %parallel_loop3A_244 {strides = array<i32>} : memref<80x144xf32, #tpu.memory_space<vmem>>, vector<16xf32>,
        %parallel_loop3A_248 = arith.index_cast %parallel_loop3A_187 : i32 to index
        %parallel_loop3A_249 = arith.constant 64 : index
        %parallel_loop3A_250 = tpu.vector_load %arg10[%parallel_loop3A_248, %parallel_loop3A_249] {strides = array<i32>} : memref<80x160xbf16, #tpu.memory_space<vmem>>, vector<32xbf16>,
        %parallel_loop3A_251 = tpu.unpack_subelements %parallel_loop3A_250, 0 {pack_format = #tpu.pack_format<interleaved>} : vector<32xbf16> -> vector<16xf32>
        %parallel_loop3A_252 = tpu.unpack_subelements %parallel_loop3A_250, 1 {pack_format = #tpu.pack_format<interleaved>} : vector<32xbf16> -> vector<16xf32>
        %parallel_loop3A_253 = vector.extract_strided_slice %parallel_loop3A_207 {offsets = [4], sizes = [1], strides = [1]} : vector<16xf32> to vector<1xf32>
        %parallel_loop3A_254 = vector.extract %parallel_loop3A_253[0] : f32 from vector<1xf32>
        %parallel_loop3A_255 = vector.extract_strided_slice %parallel_loop3A_207 {offsets = [5], sizes = [1], strides = [1]} : vector<16xf32> to vector<1xf32>
        %parallel_loop3A_256 = vector.extract %parallel_loop3A_255[0] : f32 from vector<1xf32>
        %parallel_loop3A_257 = vector.broadcast %parallel_loop3A_254 : f32 to vector<16xf32>
        %parallel_loop3A_258 = vector.broadcast %parallel_loop3A_256 : f32 to vector<16xf32>
        %parallel_loop3A_259 = arith.select %lt3A_1, %parallel_loop3A_257, %parallel_loop3A_258 : vector<16xi1>, vector<16xf32>
        %parallel_loop3A_260 = arith.mulf %parallel_loop3A_251, %parallel_loop3A_259 : vector<16xf32>
        %parallel_loop3A_261 = arith.index_cast %parallel_loop3A_187 : i32 to index
        %parallel_loop3A_262 = arith.constant 64 : index
        %parallel_loop3A_263 = tpu.vector_load %arg12[%parallel_loop3A_261, %parallel_loop3A_262] {strides = array<i32>} : memref<80x144xf32, #tpu.memory_space<vmem>>, vector<16xf32>,
        tpu.vector_store %arg12[%parallel_loop3A_261, %parallel_loop3A_262], %parallel_loop3A_260 {strides = array<i32>} : memref<80x144xf32, #tpu.memory_space<vmem>>, vector<16xf32>,
        %parallel_loop3A_264 = arith.mulf %parallel_loop3A_252, %parallel_loop3A_259 : vector<16xf32>
        %parallel_loop3A_265 = arith.index_cast %parallel_loop3A_187 : i32 to index
        %parallel_loop3A_266 = arith.constant 80 : index
        %parallel_loop3A_267 = tpu.vector_load %arg12[%parallel_loop3A_265, %parallel_loop3A_266] {strides = array<i32>} : memref<80x144xf32, #tpu.memory_space<vmem>>, vector<16xf32>,
        tpu.vector_store %arg12[%parallel_loop3A_265, %parallel_loop3A_266], %parallel_loop3A_264 {strides = array<i32>} : memref<80x144xf32, #tpu.memory_space<vmem>>, vector<16xf32>,
        %parallel_loop3A_268 = arith.index_cast %parallel_loop3A_187 : i32 to index
        %parallel_loop3A_269 = arith.constant 96 : index
        %parallel_loop3A_270 = tpu.vector_load %arg10[%parallel_loop3A_268, %parallel_loop3A_269] {strides = array<i32>} : memref<80x160xbf16, #tpu.memory_space<vmem>>, vector<32xbf16>,
        %parallel_loop3A_271 = tpu.unpack_subelements %parallel_loop3A_270, 0 {pack_format = #tpu.pack_format<interleaved>} : vector<32xbf16> -> vector<16xf32>
        %parallel_loop3A_272 = tpu.unpack_subelements %parallel_loop3A_270, 1 {pack_format = #tpu.pack_format<interleaved>} : vector<32xbf16> -> vector<16xf32>
        %parallel_loop3A_273 = vector.extract_strided_slice %parallel_loop3A_207 {offsets = [6], sizes = [1], strides = [1]} : vector<16xf32> to vector<1xf32>
        %parallel_loop3A_274 = vector.extract %parallel_loop3A_273[0] : f32 from vector<1xf32>
        %parallel_loop3A_275 = vector.extract_strided_slice %parallel_loop3A_207 {offsets = [7], sizes = [1], strides = [1]} : vector<16xf32> to vector<1xf32>
        %parallel_loop3A_276 = vector.extract %parallel_loop3A_275[0] : f32 from vector<1xf32>
        %parallel_loop3A_277 = vector.broadcast %parallel_loop3A_274 : f32 to vector<16xf32>
        %parallel_loop3A_278 = vector.broadcast %parallel_loop3A_276 : f32 to vector<16xf32>
        %parallel_loop3A_279 = arith.select %lt3A_1, %parallel_loop3A_277, %parallel_loop3A_278 : vector<16xi1>, vector<16xf32>
        %parallel_loop3A_280 = arith.mulf %parallel_loop3A_271, %parallel_loop3A_279 : vector<16xf32>
        %parallel_loop3A_281 = arith.index_cast %parallel_loop3A_187 : i32 to index
        %parallel_loop3A_282 = arith.constant 96 : index
        %parallel_loop3A_283 = tpu.vector_load %arg12[%parallel_loop3A_281, %parallel_loop3A_282] {strides = array<i32>} : memref<80x144xf32, #tpu.memory_space<vmem>>, vector<16xf32>,
        tpu.vector_store %arg12[%parallel_loop3A_281, %parallel_loop3A_282], %parallel_loop3A_280 {strides = array<i32>} : memref<80x144xf32, #tpu.memory_space<vmem>>, vector<16xf32>,
        %parallel_loop3A_284 = arith.mulf %parallel_loop3A_272, %parallel_loop3A_279 : vector<16xf32>
        %parallel_loop3A_285 = arith.index_cast %parallel_loop3A_187 : i32 to index
        %parallel_loop3A_286 = arith.constant 112 : index
        %parallel_loop3A_287 = tpu.vector_load %arg12[%parallel_loop3A_285, %parallel_loop3A_286] {strides = array<i32>} : memref<80x144xf32, #tpu.memory_space<vmem>>, vector<16xf32>,
        tpu.vector_store %arg12[%parallel_loop3A_285, %parallel_loop3A_286], %parallel_loop3A_284 {strides = array<i32>} : memref<80x144xf32, #tpu.memory_space<vmem>>, vector<16xf32>,
        %parallel_loop3A_288 = arith.index_cast %parallel_loop3A_187 : i32 to index
        %parallel_loop3A_289 = arith.constant 128 : index
        %parallel_loop3A_290 = tpu.vector_load %arg12[%parallel_loop3A_288, %parallel_loop3A_289] {strides = array<i32>} : memref<80x144xf32, #tpu.memory_space<vmem>>, vector<16xf32>,
        tpu.vector_store %arg12[%parallel_loop3A_288, %parallel_loop3A_289], %parallel_loop3A_207 {strides = array<i32>} : memref<80x144xf32, #tpu.memory_space<vmem>>, vector<16xf32>,
      } {sc.loop_unroll_factor = 4 : i64, sc.parallel_access}
      %dma_start3A_124 = arith.constant 0 : i32
      %dma_start3A_125 = arith.constant 0 : i32
      %dma_start3A_126 = tpu.memref_slice %arg22[%dma_start3A_124, %dma_start3A_125] : memref<10240x144xf32, #tpu.memory_space<vmem_shared>> -> memref<10240x144xf32, #tpu.memory_space<vmem_shared>>
      tpu.enqueue_indirect_dma source(%arg12 : memref<80x144xf32, #tpu.memory_space<vmem>>) target(%dma_start3A_126 : memref<10240x144xf32, #tpu.memory_space<vmem_shared>>) offsets(%arg14 : memref<80xi32, #tpu.memory_space<vmem>>) semaphore(%arg20 : memref<!tpu.dma_semaphore, #tpu.memory_space<semaphore_mem>>) {add = true}
      %lt3A_127 = arith.constant 62 : i32
      %lt3A_128 = arith.cmpi slt, %scan3A_58, %lt3A_127 : i32
      %convert_element_type3A_129 = arith.extui %lt3A_128 : i1 to i32
      %cond3A_130 = arith.constant 0 : i32
      %cond3A_131 = arith.cmpi ne, %convert_element_type3A_129, %cond3A_130 : i32
      scf.if %cond3A_131 {
        %add3A_187 = arith.constant 2 : i32
        %add3A_188 = arith.addi %add3A_61, %add3A_187 : i32
        "tpu.region"() ({
          %run_scoped3A = tpu.sem_alloc : memref<!tpu.dma_semaphore, #tpu.memory_space<semaphore_mem>>
          %dma_start3A_203 = arith.constant 0 : i32
          %dma_start3A_204 = arith.constant 0 : i32
          %dma_start3A_205 = tpu.memref_slice %arg2[%dma_start3A_203, %add3A_188, %dma_start3A_204] : memref<2x4032x80xi32, #tpu.memory_space<hbm>> -> memref<2x1x80xi32, #tpu.memory_space<hbm>>
          %dma_start3A_206 = tpu.memref_squeeze %dma_start3A_205 : memref<2x1x80xi32, #tpu.memory_space<hbm>> -> memref<2x80xi32, #tpu.memory_space<hbm>>
          %dma_start3A_207 = arith.constant 0 : i32
          %dma_start3A_208 = arith.constant 0 : i32
          %dma_start3A_209 = tpu.memref_slice %arg2[%dma_start3A_207, %add3A_188, %dma_start3A_208] : memref<2x4032x80xi32, #tpu.memory_space<hbm>> -> memref<2x1x80xi32, #tpu.memory_space<hbm>>
          %dma_start3A_210 = tpu.memref_squeeze %dma_start3A_209 : memref<2x1x80xi32, #tpu.memory_space<hbm>> -> memref<2x80xi32, #tpu.memory_space<hbm>>
          tpu.enqueue_dma source(%dma_start3A_210 : memref<2x80xi32, #tpu.memory_space<hbm>>) target(%arg6 : memref<2x80xi32, #tpu.memory_space<vmem>>) target_semaphore(%run_scoped3A : memref<!tpu.dma_semaphore, #tpu.memory_space<semaphore_mem>>)
          %dma_wait3A_211 = arith.constant 0 : i32
          %dma_wait3A_212 = arith.constant 0 : i32
          %dma_wait3A_213 = tpu.memref_slice %arg2[%dma_wait3A_211, %add3A_188, %dma_wait3A_212] : memref<2x4032x80xi32, #tpu.memory_space<hbm>> -> memref<2x1x80xi32, #tpu.memory_space<hbm>>
          %dma_wait3A_214 = tpu.memref_squeeze %dma_wait3A_213 : memref<2x1x80xi32, #tpu.memory_space<hbm>> -> memref<2x80xi32, #tpu.memory_space<hbm>>
          %dma_wait3A_215 = arith.constant 0 : i32
          %dma_wait3A_216 = arith.constant 0 : i32
          %dma_wait3A_217 = tpu.memref_slice %arg2[%dma_wait3A_215, %add3A_188, %dma_wait3A_216] : memref<2x4032x80xi32, #tpu.memory_space<hbm>> -> memref<2x1x80xi32, #tpu.memory_space<hbm>>
          %dma_wait3A_218 = tpu.memref_squeeze %dma_wait3A_217 : memref<2x1x80xi32, #tpu.memory_space<hbm>> -> memref<2x80xi32, #tpu.memory_space<hbm>>
          tpu.wait_dma2 semaphore(%run_scoped3A : memref<!tpu.dma_semaphore, #tpu.memory_space<semaphore_mem>>) src(%dma_wait3A_218 : memref<2x80xi32, #tpu.memory_space<hbm>>) dst(%arg6 : memref<2x80xi32, #tpu.memory_space<vmem>>)
          tpu.yield
        }) : () -> ()
        %dma_start3A_189 = arith.constant 0 : i32
        %dma_start3A_190 = arith.constant 0 : i32
        %dma_start3A_191 = tpu.memref_slice %arg6[%dma_start3A_189, %dma_start3A_190] : memref<2x80xi32, #tpu.memory_space<vmem>> -> memref<1x80xi32, #tpu.memory_space<vmem>>
        %dma_start3A_192 = tpu.memref_squeeze %dma_start3A_191 : memref<1x80xi32, #tpu.memory_space<vmem>> -> memref<80xi32, #tpu.memory_space<vmem>>
        %dma_start3A_193 = arith.constant 0 : i32
        %dma_start3A_194 = arith.constant 0 : i32
        %dma_start3A_195 = tpu.memref_slice %arg3[%dma_start3A_193, %dma_start3A_194] : memref<10240x16xf32, #tpu.memory_space<hbm>> -> memref<10240x16xf32, #tpu.memory_space<hbm>>
        tpu.enqueue_indirect_dma source(%dma_start3A_195 : memref<10240x16xf32, #tpu.memory_space<hbm>>) target(%arg8 : memref<80x16xf32, #tpu.memory_space<vmem>>) offsets(%dma_start3A_192 : memref<80xi32, #tpu.memory_space<vmem>>) semaphore(%arg16 : memref<!tpu.dma_semaphore, #tpu.memory_space<semaphore_mem>>)
        %dma_start3A_196 = arith.constant 1 : i32
        %dma_start3A_197 = arith.constant 0 : i32
        %dma_start3A_198 = tpu.memref_slice %arg6[%dma_start3A_196, %dma_start3A_197] : memref<2x80xi32, #tpu.memory_space<vmem>> -> memref<1x80xi32, #tpu.memory_space<vmem>>
        %dma_start3A_199 = tpu.memref_squeeze %dma_start3A_198 : memref<1x80xi32, #tpu.memory_space<vmem>> -> memref<80xi32, #tpu.memory_space<vmem>>
        %dma_start3A_200 = arith.constant 0 : i32
        %dma_start3A_201 = arith.constant 0 : i32
        %dma_start3A_202 = tpu.memref_slice %arg4[%dma_start3A_200, %dma_start3A_201] : memref<10240x160xbf16, #tpu.memory_space<hbm>> -> memref<10240x160xbf16, #tpu.memory_space<hbm>>
        tpu.enqueue_indirect_dma source(%dma_start3A_202 : memref<10240x160xbf16, #tpu.memory_space<hbm>>) target(%arg10 : memref<80x160xbf16, #tpu.memory_space<vmem>>) offsets(%dma_start3A_199 : memref<80xi32, #tpu.memory_space<vmem>>) semaphore(%arg18 : memref<!tpu.dma_semaphore, #tpu.memory_space<semaphore_mem>>)
      } else {
      }
      %dma_wait3A_132 = arith.constant 0 : i32
      %dma_wait3A_133 = arith.constant 0 : i32
      %dma_wait3A_134 = tpu.memref_slice %arg7[%dma_wait3A_132, %dma_wait3A_133] : memref<2x80xi32, #tpu.memory_space<vmem>> -> memref<1x80xi32, #tpu.memory_space<vmem>>
      %dma_wait3A_135 = tpu.memref_squeeze %dma_wait3A_134 : memref<1x80xi32, #tpu.memory_space<vmem>> -> memref<80xi32, #tpu.memory_space<vmem>>
      %dma_wait3A_136 = arith.constant 0 : i32
      %dma_wait3A_137 = arith.constant 0 : i32
      %dma_wait3A_138 = tpu.memref_slice %arg3[%dma_wait3A_136, %dma_wait3A_137] : memref<10240x16xf32, #tpu.memory_space<hbm>> -> memref<10240x16xf32, #tpu.memory_space<hbm>>
      tpu.wait_indirect_dma semaphore(%arg17 : memref<!tpu.dma_semaphore, #tpu.memory_space<semaphore_mem>>) src(%dma_wait3A_138 : memref<10240x16xf32, #tpu.memory_space<hbm>>) dst(%arg9 : memref<80x16xf32, #tpu.memory_space<vmem>>)
      %dma_wait3A_139 = arith.constant 1 : i32
      %dma_wait3A_140 = arith.constant 0 : i32
      %dma_wait3A_141 = tpu.memref_slice %arg7[%dma_wait3A_139, %dma_wait3A_140] : memref<2x80xi32, #tpu.memory_space<vmem>> -> memref<1x80xi32, #tpu.memory_space<vmem>>
      %dma_wait3A_142 = tpu.memref_squeeze %dma_wait3A_141 : memref<1x80xi32, #tpu.memory_space<vmem>> -> memref<80xi32, #tpu.memory_space<vmem>>
      %dma_wait3A_143 = arith.constant 0 : i32
      %dma_wait3A_144 = arith.constant 0 : i32
      %dma_wait3A_145 = tpu.memref_slice %arg4[%dma_wait3A_143, %dma_wait3A_144] : memref<10240x160xbf16, #tpu.memory_space<hbm>> -> memref<10240x160xbf16, #tpu.memory_space<hbm>>
      tpu.wait_indirect_dma semaphore(%arg19 : memref<!tpu.dma_semaphore, #tpu.memory_space<semaphore_mem>>) src(%dma_wait3A_145 : memref<10240x160xbf16, #tpu.memory_space<hbm>>) dst(%arg11 : memref<80x160xbf16, #tpu.memory_space<vmem>>)
      %gt3A_146 = arith.constant 0 : i32
      %gt3A_147 = arith.cmpi sgt, %scan3A_58, %gt3A_146 : i32
      %convert_element_type3A_148 = arith.extui %gt3A_147 : i1 to i32
      %cond3A_149 = arith.constant 0 : i32
      %cond3A_150 = arith.cmpi ne, %convert_element_type3A_148, %cond3A_149 : i32
      scf.if %cond3A_150 {
        %dma_wait3A_187 = arith.constant 0 : i32
        %dma_wait3A_188 = arith.constant 0 : i32
        %dma_wait3A_189 = tpu.memref_slice %arg22[%dma_wait3A_187, %dma_wait3A_188] : memref<10240x144xf32, #tpu.memory_space<vmem_shared>> -> memref<10240x144xf32, #tpu.memory_space<vmem_shared>>
        tpu.wait_indirect_dma semaphore(%arg21 : memref<!tpu.dma_semaphore, #tpu.memory_space<semaphore_mem>>) src(%arg13 : memref<80x144xf32, #tpu.memory_space<vmem>>) dst(%dma_wait3A_189 : memref<10240x144xf32, #tpu.memory_space<vmem_shared>>)
      } else {
      }
      %get3A_151 = arith.constant 0 : i32
      %get3A_152 = arith.index_cast %get3A_151 : i32 to index
      %get3A_153 = arith.constant 0 : index
      %get3A_154 = tpu.vector_load %arg7[%get3A_152, %get3A_153] {strides = array<i32>} : memref<2x80xi32, #tpu.memory_space<vmem>>, vector<16xi32>,
      %swap3A_155 = arith.constant 0 : index
      %swap3A_156 = tpu.vector_load %arg15[%swap3A_155] {strides = array<i32>} : memref<80xi32, #tpu.memory_space<vmem>>, vector<16xi32>,
      tpu.vector_store %arg15[%swap3A_155], %get3A_154 {strides = array<i32>} : memref<80xi32, #tpu.memory_space<vmem>>, vector<16xi32>,
      %get3A_157 = arith.constant 0 : i32
      %get3A_158 = arith.index_cast %get3A_157 : i32 to index
      %get3A_159 = arith.constant 16 : index
      %get3A_160 = tpu.vector_load %arg7[%get3A_158, %get3A_159] {strides = array<i32>} : memref<2x80xi32, #tpu.memory_space<vmem>>, vector<16xi32>,
      %swap3A_161 = arith.constant 16 : index
      %swap3A_162 = tpu.vector_load %arg15[%swap3A_161] {strides = array<i32>} : memref<80xi32, #tpu.memory_space<vmem>>, vector<16xi32>,
      tpu.vector_store %arg15[%swap3A_161], %get3A_160 {strides = array<i32>} : memref<80xi32, #tpu.memory_space<vmem>>, vector<16xi32>,
      %get3A_163 = arith.constant 0 : i32
      %get3A_164 = arith.index_cast %get3A_163 : i32 to index
      %get3A_165 = arith.constant 32 : index
      %get3A_166 = tpu.vector_load %arg7[%get3A_164, %get3A_165] {strides = array<i32>} : memref<2x80xi32, #tpu.memory_space<vmem>>, vector<16xi32>,
      %swap3A_167 = arith.constant 32 : index
      %swap3A_168 = tpu.vector_load %arg15[%swap3A_167] {strides = array<i32>} : memref<80xi32, #tpu.memory_space<vmem>>, vector<16xi32>,
      tpu.vector_store %arg15[%swap3A_167], %get3A_166 {strides = array<i32>} : memref<80xi32, #tpu.memory_space<vmem>>, vector<16xi32>,
      %get3A_169 = arith.constant 0 : i32
      %get3A_170 = arith.index_cast %get3A_169 : i32 to index
      %get3A_171 = arith.constant 48 : index
      %get3A_172 = tpu.vector_load %arg7[%get3A_170, %get3A_171] {strides = array<i32>} : memref<2x80xi32, #tpu.memory_space<vmem>>, vector<16xi32>,
      %swap3A_173 = arith.constant 48 : index
      %swap3A_174 = tpu.vector_load %arg15[%swap3A_173] {strides = array<i32>} : memref<80xi32, #tpu.memory_space<vmem>>, vector<16xi32>,
      tpu.vector_store %arg15[%swap3A_173], %get3A_172 {strides = array<i32>} : memref<80xi32, #tpu.memory_space<vmem>>, vector<16xi32>,
      %get3A_175 = arith.constant 0 : i32
      %get3A_176 = arith.index_cast %get3A_175 : i32 to index
      %get3A_177 = arith.constant 64 : index
      %get3A_178 = tpu.vector_load %arg7[%get3A_176, %get3A_177] {strides = array<i32>} : memref<2x80xi32, #tpu.memory_space<vmem>>, vector<16xi32>,
      %swap3A_179 = arith.constant 64 : index
      %swap3A_180 = tpu.vector_load %arg15[%swap3A_179] {strides = array<i32>} : memref<80xi32, #tpu.memory_space<vmem>>, vector<16xi32>,
      tpu.vector_store %arg15[%swap3A_179], %get3A_178 {strides = array<i32>} : memref<80xi32, #tpu.memory_space<vmem>>, vector<16xi32>,
      %parallel_loop3A_181 = arith.constant 0 : i32
      %parallel_loop3A_182 = arith.constant 80 : i32
      %parallel_loop3A_183 = arith.constant 1 : i32
      scf.for %parallel_loop3A_187 = %parallel_loop3A_181 to %parallel_loop3A_182 step %parallel_loop3A_183  : i32 {
        %parallel_loop3A_188 = arith.index_cast %parallel_loop3A_187 : i32 to index
        %parallel_loop3A_189 = arith.constant 128 : index
        %parallel_loop3A_190 = tpu.vector_load %arg11[%parallel_loop3A_188, %parallel_loop3A_189] {strides = array<i32>} : memref<80x160xbf16, #tpu.memory_space<vmem>>, vector<32xbf16>,
        %parallel_loop3A_191 = tpu.unpack_subelements %parallel_loop3A_190, 0 {pack_format = #tpu.pack_format<interleaved>} : vector<32xbf16> -> vector<16xf32>
        %parallel_loop3A_192 = tpu.unpack_subelements %parallel_loop3A_190, 1 {pack_format = #tpu.pack_format<interleaved>} : vector<32xbf16> -> vector<16xf32>
        %parallel_loop3A_193 = arith.index_cast %parallel_loop3A_187 : i32 to index
        %parallel_loop3A_194 = arith.constant 0 : index
        %parallel_loop3A_195 = tpu.vector_load %arg9[%parallel_loop3A_193, %parallel_loop3A_194] {strides = array<i32>} : memref<80x16xf32, #tpu.memory_space<vmem>>, vector<16xf32>,
        %parallel_loop3A_196 = arith.addf %parallel_loop3A_195, %parallel_loop3A_191 : vector<16xf32>
        %parallel_loop3A_197 = arith.constant 0.000000e+00 : f32
        %parallel_loop3A_198 = vector.broadcast %parallel_loop3A_197 : f32 to vector<16xf32>
        %parallel_loop3A_199 = arith.cmpf oge, %parallel_loop3A_196, %parallel_loop3A_198 : vector<16xf32>
        %parallel_loop3A_200 = arith.constant 2.000000e-01 : f32
        %parallel_loop3A_201 = vector.broadcast %parallel_loop3A_200 : f32 to vector<16xf32>
        %parallel_loop3A_202 = arith.mulf %parallel_loop3A_201, %parallel_loop3A_196 : vector<16xf32>
        %parallel_loop3A_203 = arith.select %parallel_loop3A_199, %parallel_loop3A_196, %parallel_loop3A_202 : vector<16xi1>, vector<16xf32>
        %parallel_loop3A_204 = math.exp %parallel_loop3A_203 : vector<16xf32>
        %parallel_loop3A_205 = arith.constant 0.000000e+00 : f32
        %parallel_loop3A_206 = vector.broadcast %parallel_loop3A_205 : f32 to vector<16xf32>
        %parallel_loop3A_207 = arith.select %lt3A_1, %parallel_loop3A_204, %parallel_loop3A_206 : vector<16xi1>, vector<16xf32>
        %parallel_loop3A_208 = arith.index_cast %parallel_loop3A_187 : i32 to index
        %parallel_loop3A_209 = arith.constant 0 : index
        %parallel_loop3A_210 = tpu.vector_load %arg11[%parallel_loop3A_208, %parallel_loop3A_209] {strides = array<i32>} : memref<80x160xbf16, #tpu.memory_space<vmem>>, vector<32xbf16>,
        %parallel_loop3A_211 = tpu.unpack_subelements %parallel_loop3A_210, 0 {pack_format = #tpu.pack_format<interleaved>} : vector<32xbf16> -> vector<16xf32>
        %parallel_loop3A_212 = tpu.unpack_subelements %parallel_loop3A_210, 1 {pack_format = #tpu.pack_format<interleaved>} : vector<32xbf16> -> vector<16xf32>
        %parallel_loop3A_213 = vector.extract_strided_slice %parallel_loop3A_207 {offsets = [0], sizes = [1], strides = [1]} : vector<16xf32> to vector<1xf32>
        %parallel_loop3A_214 = vector.extract %parallel_loop3A_213[0] : f32 from vector<1xf32>
        %parallel_loop3A_215 = vector.extract_strided_slice %parallel_loop3A_207 {offsets = [1], sizes = [1], strides = [1]} : vector<16xf32> to vector<1xf32>
        %parallel_loop3A_216 = vector.extract %parallel_loop3A_215[0] : f32 from vector<1xf32>
        %parallel_loop3A_217 = vector.broadcast %parallel_loop3A_214 : f32 to vector<16xf32>
        %parallel_loop3A_218 = vector.broadcast %parallel_loop3A_216 : f32 to vector<16xf32>
        %parallel_loop3A_219 = arith.select %lt3A_1, %parallel_loop3A_217, %parallel_loop3A_218 : vector<16xi1>, vector<16xf32>
        %parallel_loop3A_220 = arith.mulf %parallel_loop3A_211, %parallel_loop3A_219 : vector<16xf32>
        %parallel_loop3A_221 = arith.index_cast %parallel_loop3A_187 : i32 to index
        %parallel_loop3A_222 = arith.constant 0 : index
        %parallel_loop3A_223 = tpu.vector_load %arg13[%parallel_loop3A_221, %parallel_loop3A_222] {strides = array<i32>} : memref<80x144xf32, #tpu.memory_space<vmem>>, vector<16xf32>,
        tpu.vector_store %arg13[%parallel_loop3A_221, %parallel_loop3A_222], %parallel_loop3A_220 {strides = array<i32>} : memref<80x144xf32, #tpu.memory_space<vmem>>, vector<16xf32>,
        %parallel_loop3A_224 = arith.mulf %parallel_loop3A_212, %parallel_loop3A_219 : vector<16xf32>
        %parallel_loop3A_225 = arith.index_cast %parallel_loop3A_187 : i32 to index
        %parallel_loop3A_226 = arith.constant 16 : index
        %parallel_loop3A_227 = tpu.vector_load %arg13[%parallel_loop3A_225, %parallel_loop3A_226] {strides = array<i32>} : memref<80x144xf32, #tpu.memory_space<vmem>>, vector<16xf32>,
        tpu.vector_store %arg13[%parallel_loop3A_225, %parallel_loop3A_226], %parallel_loop3A_224 {strides = array<i32>} : memref<80x144xf32, #tpu.memory_space<vmem>>, vector<16xf32>,
        %parallel_loop3A_228 = arith.index_cast %parallel_loop3A_187 : i32 to index
        %parallel_loop3A_229 = arith.constant 32 : index
        %parallel_loop3A_230 = tpu.vector_load %arg11[%parallel_loop3A_228, %parallel_loop3A_229] {strides = array<i32>} : memref<80x160xbf16, #tpu.memory_space<vmem>>, vector<32xbf16>,
        %parallel_loop3A_231 = tpu.unpack_subelements %parallel_loop3A_230, 0 {pack_format = #tpu.pack_format<interleaved>} : vector<32xbf16> -> vector<16xf32>
        %parallel_loop3A_232 = tpu.unpack_subelements %parallel_loop3A_230, 1 {pack_format = #tpu.pack_format<interleaved>} : vector<32xbf16> -> vector<16xf32>
        %parallel_loop3A_233 = vector.extract_strided_slice %parallel_loop3A_207 {offsets = [2], sizes = [1], strides = [1]} : vector<16xf32> to vector<1xf32>
        %parallel_loop3A_234 = vector.extract %parallel_loop3A_233[0] : f32 from vector<1xf32>
        %parallel_loop3A_235 = vector.extract_strided_slice %parallel_loop3A_207 {offsets = [3], sizes = [1], strides = [1]} : vector<16xf32> to vector<1xf32>
        %parallel_loop3A_236 = vector.extract %parallel_loop3A_235[0] : f32 from vector<1xf32>
        %parallel_loop3A_237 = vector.broadcast %parallel_loop3A_234 : f32 to vector<16xf32>
        %parallel_loop3A_238 = vector.broadcast %parallel_loop3A_236 : f32 to vector<16xf32>
        %parallel_loop3A_239 = arith.select %lt3A_1, %parallel_loop3A_237, %parallel_loop3A_238 : vector<16xi1>, vector<16xf32>
        %parallel_loop3A_240 = arith.mulf %parallel_loop3A_231, %parallel_loop3A_239 : vector<16xf32>
        %parallel_loop3A_241 = arith.index_cast %parallel_loop3A_187 : i32 to index
        %parallel_loop3A_242 = arith.constant 32 : index
        %parallel_loop3A_243 = tpu.vector_load %arg13[%parallel_loop3A_241, %parallel_loop3A_242] {strides = array<i32>} : memref<80x144xf32, #tpu.memory_space<vmem>>, vector<16xf32>,
        tpu.vector_store %arg13[%parallel_loop3A_241, %parallel_loop3A_242], %parallel_loop3A_240 {strides = array<i32>} : memref<80x144xf32, #tpu.memory_space<vmem>>, vector<16xf32>,
        %parallel_loop3A_244 = arith.mulf %parallel_loop3A_232, %parallel_loop3A_239 : vector<16xf32>
        %parallel_loop3A_245 = arith.index_cast %parallel_loop3A_187 : i32 to index
        %parallel_loop3A_246 = arith.constant 48 : index
        %parallel_loop3A_247 = tpu.vector_load %arg13[%parallel_loop3A_245, %parallel_loop3A_246] {strides = array<i32>} : memref<80x144xf32, #tpu.memory_space<vmem>>, vector<16xf32>,
        tpu.vector_store %arg13[%parallel_loop3A_245, %parallel_loop3A_246], %parallel_loop3A_244 {strides = array<i32>} : memref<80x144xf32, #tpu.memory_space<vmem>>, vector<16xf32>,
        %parallel_loop3A_248 = arith.index_cast %parallel_loop3A_187 : i32 to index
        %parallel_loop3A_249 = arith.constant 64 : index
        %parallel_loop3A_250 = tpu.vector_load %arg11[%parallel_loop3A_248, %parallel_loop3A_249] {strides = array<i32>} : memref<80x160xbf16, #tpu.memory_space<vmem>>, vector<32xbf16>,
        %parallel_loop3A_251 = tpu.unpack_subelements %parallel_loop3A_250, 0 {pack_format = #tpu.pack_format<interleaved>} : vector<32xbf16> -> vector<16xf32>
        %parallel_loop3A_252 = tpu.unpack_subelements %parallel_loop3A_250, 1 {pack_format = #tpu.pack_format<interleaved>} : vector<32xbf16> -> vector<16xf32>
        %parallel_loop3A_253 = vector.extract_strided_slice %parallel_loop3A_207 {offsets = [4], sizes = [1], strides = [1]} : vector<16xf32> to vector<1xf32>
        %parallel_loop3A_254 = vector.extract %parallel_loop3A_253[0] : f32 from vector<1xf32>
        %parallel_loop3A_255 = vector.extract_strided_slice %parallel_loop3A_207 {offsets = [5], sizes = [1], strides = [1]} : vector<16xf32> to vector<1xf32>
        %parallel_loop3A_256 = vector.extract %parallel_loop3A_255[0] : f32 from vector<1xf32>
        %parallel_loop3A_257 = vector.broadcast %parallel_loop3A_254 : f32 to vector<16xf32>
        %parallel_loop3A_258 = vector.broadcast %parallel_loop3A_256 : f32 to vector<16xf32>
        %parallel_loop3A_259 = arith.select %lt3A_1, %parallel_loop3A_257, %parallel_loop3A_258 : vector<16xi1>, vector<16xf32>
        %parallel_loop3A_260 = arith.mulf %parallel_loop3A_251, %parallel_loop3A_259 : vector<16xf32>
        %parallel_loop3A_261 = arith.index_cast %parallel_loop3A_187 : i32 to index
        %parallel_loop3A_262 = arith.constant 64 : index
        %parallel_loop3A_263 = tpu.vector_load %arg13[%parallel_loop3A_261, %parallel_loop3A_262] {strides = array<i32>} : memref<80x144xf32, #tpu.memory_space<vmem>>, vector<16xf32>,
        tpu.vector_store %arg13[%parallel_loop3A_261, %parallel_loop3A_262], %parallel_loop3A_260 {strides = array<i32>} : memref<80x144xf32, #tpu.memory_space<vmem>>, vector<16xf32>,
        %parallel_loop3A_264 = arith.mulf %parallel_loop3A_252, %parallel_loop3A_259 : vector<16xf32>
        %parallel_loop3A_265 = arith.index_cast %parallel_loop3A_187 : i32 to index
        %parallel_loop3A_266 = arith.constant 80 : index
        %parallel_loop3A_267 = tpu.vector_load %arg13[%parallel_loop3A_265, %parallel_loop3A_266] {strides = array<i32>} : memref<80x144xf32, #tpu.memory_space<vmem>>, vector<16xf32>,
        tpu.vector_store %arg13[%parallel_loop3A_265, %parallel_loop3A_266], %parallel_loop3A_264 {strides = array<i32>} : memref<80x144xf32, #tpu.memory_space<vmem>>, vector<16xf32>,
        %parallel_loop3A_268 = arith.index_cast %parallel_loop3A_187 : i32 to index
        %parallel_loop3A_269 = arith.constant 96 : index
        %parallel_loop3A_270 = tpu.vector_load %arg11[%parallel_loop3A_268, %parallel_loop3A_269] {strides = array<i32>} : memref<80x160xbf16, #tpu.memory_space<vmem>>, vector<32xbf16>,
        %parallel_loop3A_271 = tpu.unpack_subelements %parallel_loop3A_270, 0 {pack_format = #tpu.pack_format<interleaved>} : vector<32xbf16> -> vector<16xf32>
        %parallel_loop3A_272 = tpu.unpack_subelements %parallel_loop3A_270, 1 {pack_format = #tpu.pack_format<interleaved>} : vector<32xbf16> -> vector<16xf32>
        %parallel_loop3A_273 = vector.extract_strided_slice %parallel_loop3A_207 {offsets = [6], sizes = [1], strides = [1]} : vector<16xf32> to vector<1xf32>
        %parallel_loop3A_274 = vector.extract %parallel_loop3A_273[0] : f32 from vector<1xf32>
        %parallel_loop3A_275 = vector.extract_strided_slice %parallel_loop3A_207 {offsets = [7], sizes = [1], strides = [1]} : vector<16xf32> to vector<1xf32>
        %parallel_loop3A_276 = vector.extract %parallel_loop3A_275[0] : f32 from vector<1xf32>
        %parallel_loop3A_277 = vector.broadcast %parallel_loop3A_274 : f32 to vector<16xf32>
        %parallel_loop3A_278 = vector.broadcast %parallel_loop3A_276 : f32 to vector<16xf32>
        %parallel_loop3A_279 = arith.select %lt3A_1, %parallel_loop3A_277, %parallel_loop3A_278 : vector<16xi1>, vector<16xf32>
        %parallel_loop3A_280 = arith.mulf %parallel_loop3A_271, %parallel_loop3A_279 : vector<16xf32>
        %parallel_loop3A_281 = arith.index_cast %parallel_loop3A_187 : i32 to index
        %parallel_loop3A_282 = arith.constant 96 : index
        %parallel_loop3A_283 = tpu.vector_load %arg13[%parallel_loop3A_281, %parallel_loop3A_282] {strides = array<i32>} : memref<80x144xf32, #tpu.memory_space<vmem>>, vector<16xf32>,
        tpu.vector_store %arg13[%parallel_loop3A_281, %parallel_loop3A_282], %parallel_loop3A_280 {strides = array<i32>} : memref<80x144xf32, #tpu.memory_space<vmem>>, vector<16xf32>,
        %parallel_loop3A_284 = arith.mulf %parallel_loop3A_272, %parallel_loop3A_279 : vector<16xf32>
        %parallel_loop3A_285 = arith.index_cast %parallel_loop3A_187 : i32 to index
        %parallel_loop3A_286 = arith.constant 112 : index
        %parallel_loop3A_287 = tpu.vector_load %arg13[%parallel_loop3A_285, %parallel_loop3A_286] {strides = array<i32>} : memref<80x144xf32, #tpu.memory_space<vmem>>, vector<16xf32>,
        tpu.vector_store %arg13[%parallel_loop3A_285, %parallel_loop3A_286], %parallel_loop3A_284 {strides = array<i32>} : memref<80x144xf32, #tpu.memory_space<vmem>>, vector<16xf32>,
        %parallel_loop3A_288 = arith.index_cast %parallel_loop3A_187 : i32 to index
        %parallel_loop3A_289 = arith.constant 128 : index
        %parallel_loop3A_290 = tpu.vector_load %arg13[%parallel_loop3A_288, %parallel_loop3A_289] {strides = array<i32>} : memref<80x144xf32, #tpu.memory_space<vmem>>, vector<16xf32>,
        tpu.vector_store %arg13[%parallel_loop3A_288, %parallel_loop3A_289], %parallel_loop3A_207 {strides = array<i32>} : memref<80x144xf32, #tpu.memory_space<vmem>>, vector<16xf32>,
      } {sc.loop_unroll_factor = 4 : i64, sc.parallel_access}
      %dma_start3A_184 = arith.constant 0 : i32
      %dma_start3A_185 = arith.constant 0 : i32
      %dma_start3A_186 = tpu.memref_slice %arg22[%dma_start3A_184, %dma_start3A_185] : memref<10240x144xf32, #tpu.memory_space<vmem_shared>> -> memref<10240x144xf32, #tpu.memory_space<vmem_shared>>
      tpu.enqueue_indirect_dma source(%arg13 : memref<80x144xf32, #tpu.memory_space<vmem>>) target(%dma_start3A_186 : memref<10240x144xf32, #tpu.memory_space<vmem_shared>>) offsets(%arg15 : memref<80xi32, #tpu.memory_space<vmem>>) semaphore(%arg21 : memref<!tpu.dma_semaphore, #tpu.memory_space<semaphore_mem>>) {add = true}
    }
    %scan3A_47 = arith.constant 63 : i32
    %dma_wait3A = arith.constant 0 : i32
    %dma_wait3A_48 = arith.constant 0 : i32
    %dma_wait3A_49 = tpu.memref_slice %arg22[%dma_wait3A, %dma_wait3A_48] : memref<10240x144xf32, #tpu.memory_space<vmem_shared>> -> memref<10240x144xf32, #tpu.memory_space<vmem_shared>>
    tpu.wait_indirect_dma semaphore(%arg20 : memref<!tpu.dma_semaphore, #tpu.memory_space<semaphore_mem>>) src(%arg12 : memref<80x144xf32, #tpu.memory_space<vmem>>) dst(%dma_wait3A_49 : memref<10240x144xf32, #tpu.memory_space<vmem_shared>>)
    %dma_wait3A_50 = arith.constant 0 : i32
    %dma_wait3A_51 = arith.constant 0 : i32
    %dma_wait3A_52 = tpu.memref_slice %arg22[%dma_wait3A_50, %dma_wait3A_51] : memref<10240x144xf32, #tpu.memory_space<vmem_shared>> -> memref<10240x144xf32, #tpu.memory_space<vmem_shared>>
    tpu.wait_indirect_dma semaphore(%arg21 : memref<!tpu.dma_semaphore, #tpu.memory_space<semaphore_mem>>) src(%arg13 : memref<80x144xf32, #tpu.memory_space<vmem>>) dst(%dma_wait3A_52 : memref<10240x144xf32, #tpu.memory_space<vmem_shared>>)
    %barrier3A_53 = arith.constant 0 : index
    tpu.barrier barrier_id(%barrier3A_53)
    %mul3A_54 = arith.constant 640 : i32
    %mul3A_55 = arith.muli %arg1, %mul3A_54 : i32
    %mul3A_56 = arith.constant 640 : i32
    %mul3A_57 = arith.muli %arg1, %mul3A_56 : i32
    "tpu.region"() ({
      %run_scoped3A = tpu.sem_alloc : memref<!tpu.dma_semaphore, #tpu.memory_space<semaphore_mem>>
      %dma_start3A_58 = arith.constant 0 : i32
      %dma_start3A_59 = tpu.memref_slice %arg5[%arg0, %mul3A_57, %dma_start3A_58] : memref<2x10240x144xf32, #tpu.memory_space<hbm>> -> memref<1x640x144xf32, #tpu.memory_space<hbm>>
      %dma_start3A_60 = tpu.memref_squeeze %dma_start3A_59 : memref<1x640x144xf32, #tpu.memory_space<hbm>> -> memref<640x144xf32, #tpu.memory_space<hbm>>
      %dma_start3A_61 = arith.constant 0 : i32
      %dma_start3A_62 = tpu.memref_slice %arg22[%mul3A_55, %dma_start3A_61] : memref<10240x144xf32, #tpu.memory_space<vmem_shared>> -> memref<640x144xf32, #tpu.memory_space<vmem_shared>>
      tpu.enqueue_dma source(%dma_start3A_62 : memref<640x144xf32, #tpu.memory_space<vmem_shared>>) target(%dma_start3A_60 : memref<640x144xf32, #tpu.memory_space<hbm>>) target_semaphore(%run_scoped3A : memref<!tpu.dma_semaphore, #tpu.memory_space<semaphore_mem>>)
      %dma_wait3A_63 = arith.constant 0 : i32
      %dma_wait3A_64 = tpu.memref_slice %arg5[%arg0, %mul3A_57, %dma_wait3A_63] : memref<2x10240x144xf32, #tpu.memory_space<hbm>> -> memref<1x640x144xf32, #tpu.memory_space<hbm>>
      %dma_wait3A_65 = tpu.memref_squeeze %dma_wait3A_64 : memref<1x640x144xf32, #tpu.memory_space<hbm>> -> memref<640x144xf32, #tpu.memory_space<hbm>>
      %dma_wait3A_66 = arith.constant 0 : i32
      %dma_wait3A_67 = tpu.memref_slice %arg22[%mul3A_55, %dma_wait3A_66] : memref<10240x144xf32, #tpu.memory_space<vmem_shared>> -> memref<640x144xf32, #tpu.memory_space<vmem_shared>>
      tpu.wait_dma2 semaphore(%run_scoped3A : memref<!tpu.dma_semaphore, #tpu.memory_space<semaphore_mem>>) src(%dma_wait3A_67 : memref<640x144xf32, #tpu.memory_space<vmem_shared>>) dst(%dma_wait3A_65 : memref<640x144xf32, #tpu.memory_space<hbm>>)
      tpu.yield
    }) : () -> ()
    return
  }
}

module attributes {stable_mosaic.version = 14 : i64} {
  func.func @_prep_body(%arg0: i32, %arg1: memref<512x128xf32, #tpu.memory_space<vmem>>, %arg2: memref<128x128xf32, #tpu.memory_space<vmem>>, %arg3: memref<128x128xf32, #tpu.memory_space<vmem>>, %arg4: memref<1x128xf32, #tpu.memory_space<vmem>>, %arg5: memref<1x128xf32, #tpu.memory_space<vmem>>, %arg6: memref<128x8xf32, #tpu.memory_space<vmem>>, %arg7: memref<128x8xf32, #tpu.memory_space<vmem>>, %arg8: memref<1x8xf32, #tpu.memory_space<vmem>>, %arg9: memref<8x32xf32, #tpu.memory_space<vmem>>, %arg10: memref<512x160xbf16, #tpu.memory_space<vmem>>, %arg11: memref<512x16xf32, #tpu.memory_space<vmem>>, %arg12: memref<512x128xf32, #tpu.memory_space<vmem>>) attributes {dimension_semantics = [#tpu.dimension_semantics<arbitrary>], iteration_bounds = array<i64: 20>, scalar_prefetch = 0 : i64, scratch_operands = 0 : i64, tpu.core_type = #tpu.core_type<tc>, window_params = [{transform_indices = @transform_0, window_bounds = array<i64: 512, 128>}, {pipeline_mode = #tpu.pipeline_mode<synchronous>, transform_indices = @transform_1, window_bounds = array<i64: 128, 128>}, {pipeline_mode = #tpu.pipeline_mode<synchronous>, transform_indices = @transform_2, window_bounds = array<i64: 128, 128>}, {pipeline_mode = #tpu.pipeline_mode<synchronous>, transform_indices = @transform_3, window_bounds = array<i64: 1, 128>}, {pipeline_mode = #tpu.pipeline_mode<synchronous>, transform_indices = @transform_4, window_bounds = array<i64: 1, 128>}, {pipeline_mode = #tpu.pipeline_mode<synchronous>, transform_indices = @transform_5, window_bounds = array<i64: 128, 8>}, {pipeline_mode = #tpu.pipeline_mode<synchronous>, transform_indices = @transform_6, window_bounds = array<i64: 128, 8>}, {pipeline_mode = #tpu.pipeline_mode<synchronous>, transform_indices = @transform_7, window_bounds = array<i64: 1, 8>}, {pipeline_mode = #tpu.pipeline_mode<synchronous>, transform_indices = @transform_8, window_bounds = array<i64: 8, 32>}, {transform_indices = @transform_9, window_bounds = array<i64: 512, 160>}, {transform_indices = @transform_10, window_bounds = array<i64: 512, 16>}, {transform_indices = @transform_11, window_bounds = array<i64: 512, 128>}]} {
    %get3A = arith.constant 0 : index
    %get3A_0 = arith.constant 0 : index
    %get3A_1 = vector.load %arg1[%get3A, %get3A_0] : memref<512x128xf32, #tpu.memory_space<vmem>>, vector<512x128xf32>
    %get3A_2 = arith.constant 0 : index
    %get3A_3 = arith.constant 0 : index
    %get3A_4 = vector.load %arg2[%get3A_2, %get3A_3] : memref<128x128xf32, #tpu.memory_space<vmem>>, vector<128x128xf32>
    %dot_general3A = arith.constant dense<0.000000e+00> : vector<512x128xf32>
    %dot_general3A_5 = tpu.matmul %get3A_1, %get3A_4, %dot_general3A {dimension_numbers = #tpu.dot_dimension_numbers<[1], [0], [0], [1], [0, 0, 1, 1], [], []>, transpose_lhs_hint = false} : vector<512x128xf32>, vector<128x128xf32>, vector<512x128xf32> -> vector<512x128xf32>
    %get3A_6 = arith.constant 0 : index
    %get3A_7 = arith.constant 0 : index
    %get3A_8 = vector.load %arg4[%get3A_6, %get3A_7] : memref<1x128xf32, #tpu.memory_space<vmem>>, vector<1x128xf32>
    %add3A = vector.broadcast %get3A_8 : vector<1x128xf32> to vector<512x128xf32>
    %add3A_9 = arith.addf %dot_general3A_5, %add3A : vector<512x128xf32>
    %get3A_10 = arith.constant 0 : index
    %get3A_11 = arith.constant 0 : index
    %get3A_12 = vector.load %arg1[%get3A_10, %get3A_11] : memref<512x128xf32, #tpu.memory_space<vmem>>, vector<512x128xf32>
    %get3A_13 = arith.constant 0 : index
    %get3A_14 = arith.constant 0 : index
    %get3A_15 = vector.load %arg3[%get3A_13, %get3A_14] : memref<128x128xf32, #tpu.memory_space<vmem>>, vector<128x128xf32>
    %dot_general3A_16 = arith.constant dense<0.000000e+00> : vector<512x128xf32>
    %dot_general3A_17 = tpu.matmul %get3A_12, %get3A_15, %dot_general3A_16 {dimension_numbers = #tpu.dot_dimension_numbers<[1], [0], [0], [1], [0, 0, 1, 1], [], []>, transpose_lhs_hint = false} : vector<512x128xf32>, vector<128x128xf32>, vector<512x128xf32> -> vector<512x128xf32>
    %get3A_18 = arith.constant 0 : index
    %get3A_19 = arith.constant 0 : index
    %get3A_20 = vector.load %arg5[%get3A_18, %get3A_19] : memref<1x128xf32, #tpu.memory_space<vmem>>, vector<1x128xf32>
    %add3A_21 = vector.broadcast %get3A_20 : vector<1x128xf32> to vector<512x128xf32>
    %add3A_22 = arith.addf %dot_general3A_17, %add3A_21 : vector<512x128xf32>
    %swap3A = arith.constant 0 : index
    %swap3A_23 = arith.constant 0 : index
    %swap3A_24 = vector.load %arg12[%swap3A, %swap3A_23] : memref<512x128xf32, #tpu.memory_space<vmem>>, vector<512x128xf32>
    tpu.vector_store %arg12[%swap3A, %swap3A_23], %add3A_22 {strides = array<i32>} : memref<512x128xf32, #tpu.memory_space<vmem>>, vector<512x128xf32>,
    %get3A_25 = arith.constant 0 : index
    %get3A_26 = arith.constant 0 : index
    %get3A_27 = vector.load %arg6[%get3A_25, %get3A_26] : memref<128x8xf32, #tpu.memory_space<vmem>>, vector<128x8xf32>
    %dot_general3A_28 = arith.constant dense<0.000000e+00> : vector<512x8xf32>
    %dot_general3A_29 = tpu.matmul %add3A_9, %get3A_27, %dot_general3A_28 {dimension_numbers = #tpu.dot_dimension_numbers<[1], [0], [0], [1], [0, 0, 1, 1], [], []>, transpose_lhs_hint = false} : vector<512x128xf32>, vector<128x8xf32>, vector<512x8xf32> -> vector<512x8xf32>
    %get3A_30 = arith.constant 0 : index
    %get3A_31 = arith.constant 0 : index
    %get3A_32 = vector.load %arg8[%get3A_30, %get3A_31] : memref<1x8xf32, #tpu.memory_space<vmem>>, vector<1x8xf32>
    %add3A_33 = vector.broadcast %get3A_32 : vector<1x8xf32> to vector<512x8xf32>
    %add3A_34 = arith.addf %dot_general3A_29, %add3A_33 : vector<512x8xf32>
    %get3A_35 = arith.constant 0 : index
    %get3A_36 = arith.constant 0 : index
    %get3A_37 = vector.load %arg7[%get3A_35, %get3A_36] : memref<128x8xf32, #tpu.memory_space<vmem>>, vector<128x8xf32>
    %dot_general3A_38 = arith.constant dense<0.000000e+00> : vector<512x8xf32>
    %dot_general3A_39 = tpu.matmul %add3A_9, %get3A_37, %dot_general3A_38 {dimension_numbers = #tpu.dot_dimension_numbers<[1], [0], [0], [1], [0, 0, 1, 1], [], []>, transpose_lhs_hint = false} : vector<512x128xf32>, vector<128x8xf32>, vector<512x8xf32> -> vector<512x8xf32>
    %get3A_40 = arith.constant 0 : index
    %get3A_41 = arith.constant 0 : index
    %get3A_42 = vector.load %arg9[%get3A_40, %get3A_41] : memref<8x32xf32, #tpu.memory_space<vmem>>, vector<8x32xf32>
    %dot_general3A_43 = arith.constant dense<0.000000e+00> : vector<512x32xf32>
    %dot_general3A_44 = tpu.matmul %dot_general3A_39, %get3A_42, %dot_general3A_43 {dimension_numbers = #tpu.dot_dimension_numbers<[1], [0], [0], [1], [0, 0, 1, 1], [], []>, transpose_lhs_hint = false} : vector<512x8xf32>, vector<8x32xf32>, vector<512x32xf32> -> vector<512x32xf32>
    %broadcast_in_dim3A = arith.constant 0.000000e+00 : f32
    %broadcast_in_dim3A_45 = vector.broadcast %broadcast_in_dim3A : f32 to vector<512x8xf32>
    %concatenate3A = tpu.concatenate %add3A_9, %dot_general3A_44 in 1 : vector<512x128xf32>, vector<512x32xf32> -> vector<512x160xf32>
    %convert_element_type3A = arith.truncf %concatenate3A : vector<512x160xf32> to vector<512x160xbf16>
    %swap3A_46 = arith.constant 0 : index
    %swap3A_47 = arith.constant 0 : index
    %swap3A_48 = vector.load %arg10[%swap3A_46, %swap3A_47] : memref<512x160xbf16, #tpu.memory_space<vmem>>, vector<512x160xbf16>
    tpu.vector_store %arg10[%swap3A_46, %swap3A_47], %convert_element_type3A {strides = array<i32>} : memref<512x160xbf16, #tpu.memory_space<vmem>>, vector<512x160xbf16>,
    %concatenate3A_49 = tpu.concatenate %add3A_34, %broadcast_in_dim3A_45 in 1 : vector<512x8xf32>, vector<512x8xf32> -> vector<512x16xf32>
    %swap3A_50 = arith.constant 0 : index
    %swap3A_51 = arith.constant 0 : index
    %swap3A_52 = vector.load %arg11[%swap3A_50, %swap3A_51] : memref<512x16xf32, #tpu.memory_space<vmem>>, vector<512x16xf32>
    tpu.vector_store %arg11[%swap3A_50, %swap3A_51], %concatenate3A_49 {strides = array<i32>} : memref<512x16xf32, #tpu.memory_space<vmem>>, vector<512x16xf32>,
    return
  }
  func.func @transform_0(%arg0: i32) -> (i32, i32) {
    %c0_i32 = arith.constant 0 : i32
    %c0_i32_0 = arith.constant 0 : i32
    return %arg0, %c0_i32 : i32, i32
  }
  func.func @transform_1(%arg0: i32) -> (i32, i32) {
    %c0_i32 = arith.constant 0 : i32
    %c0_i32_0 = arith.constant 0 : i32
    %c0_i32_1 = arith.constant 0 : i32
    return %c0_i32, %c0_i32_0 : i32, i32
  }
  func.func @transform_2(%arg0: i32) -> (i32, i32) {
    %c0_i32 = arith.constant 0 : i32
    %c0_i32_0 = arith.constant 0 : i32
    %c0_i32_1 = arith.constant 0 : i32
    return %c0_i32, %c0_i32_0 : i32, i32
  }
  func.func @transform_3(%arg0: i32) -> (i32, i32) {
    %c0_i32 = arith.constant 0 : i32
    %c0_i32_0 = arith.constant 0 : i32
    %c0_i32_1 = arith.constant 0 : i32
    return %c0_i32, %c0_i32_0 : i32, i32
  }
  func.func @transform_4(%arg0: i32) -> (i32, i32) {
    %c0_i32 = arith.constant 0 : i32
    %c0_i32_0 = arith.constant 0 : i32
    %c0_i32_1 = arith.constant 0 : i32
    return %c0_i32, %c0_i32_0 : i32, i32
  }
  func.func @transform_5(%arg0: i32) -> (i32, i32) {
    %c0_i32 = arith.constant 0 : i32
    %c0_i32_0 = arith.constant 0 : i32
    %c0_i32_1 = arith.constant 0 : i32
    return %c0_i32, %c0_i32_0 : i32, i32
  }
  func.func @transform_6(%arg0: i32) -> (i32, i32) {
    %c0_i32 = arith.constant 0 : i32
    %c0_i32_0 = arith.constant 0 : i32
    %c0_i32_1 = arith.constant 0 : i32
    return %c0_i32, %c0_i32_0 : i32, i32
  }
  func.func @transform_7(%arg0: i32) -> (i32, i32) {
    %c0_i32 = arith.constant 0 : i32
    %c0_i32_0 = arith.constant 0 : i32
    %c0_i32_1 = arith.constant 0 : i32
    return %c0_i32, %c0_i32_0 : i32, i32
  }
  func.func @transform_8(%arg0: i32) -> (i32, i32) {
    %c0_i32 = arith.constant 0 : i32
    %c0_i32_0 = arith.constant 0 : i32
    %c0_i32_1 = arith.constant 0 : i32
    return %c0_i32, %c0_i32_0 : i32, i32
  }
  func.func @transform_9(%arg0: i32) -> (i32, i32) {
    %c0_i32 = arith.constant 0 : i32
    %c0_i32_0 = arith.constant 0 : i32
    return %arg0, %c0_i32 : i32, i32
  }
  func.func @transform_10(%arg0: i32) -> (i32, i32) {
    %c0_i32 = arith.constant 0 : i32
    %c0_i32_0 = arith.constant 0 : i32
    return %arg0, %c0_i32 : i32, i32
  }
  func.func @transform_11(%arg0: i32) -> (i32, i32) {
    %c0_i32 = arith.constant 0 : i32
    %c0_i32_0 = arith.constant 0 : i32
    return %arg0, %c0_i32 : i32, i32
  }
}

module attributes {stable_mosaic.version = 14 : i64} {
  func.func @_epi_body(%arg0: i32, %arg1: memref<1x1000x144xf32, #tpu.memory_space<vmem>>, %arg2: memref<1x1000x144xf32, #tpu.memory_space<vmem>>, %arg3: memref<1000x128xf32, #tpu.memory_space<vmem>>, %arg4: memref<8x128xf32, #tpu.memory_space<vmem>>, %arg5: memref<128x128xf32, #tpu.memory_space<vmem>>, %arg6: memref<128x128xf32, #tpu.memory_space<vmem>>, %arg7: memref<1x128xf32, #tpu.memory_space<vmem>>, %arg8: memref<1x128xf32, #tpu.memory_space<vmem>>, %arg9: memref<1x128xf32, #tpu.memory_space<vmem>>, %arg10: memref<1000x128xf32, #tpu.memory_space<vmem>>) attributes {dimension_semantics = [#tpu.dimension_semantics<arbitrary>], iteration_bounds = array<i64: 10>, scalar_prefetch = 0 : i64, scratch_operands = 0 : i64, tpu.core_type = #tpu.core_type<tc>, window_params = [{transform_indices = @transform_0, window_bounds = array<i64: 1, 1000, 144>}, {transform_indices = @transform_1, window_bounds = array<i64: 1, 1000, 144>}, {transform_indices = @transform_2, window_bounds = array<i64: 1000, 128>}, {pipeline_mode = #tpu.pipeline_mode<synchronous>, transform_indices = @transform_3, window_bounds = array<i64: 8, 128>}, {pipeline_mode = #tpu.pipeline_mode<synchronous>, transform_indices = @transform_4, window_bounds = array<i64: 128, 128>}, {pipeline_mode = #tpu.pipeline_mode<synchronous>, transform_indices = @transform_5, window_bounds = array<i64: 128, 128>}, {pipeline_mode = #tpu.pipeline_mode<synchronous>, transform_indices = @transform_6, window_bounds = array<i64: 1, 128>}, {pipeline_mode = #tpu.pipeline_mode<synchronous>, transform_indices = @transform_7, window_bounds = array<i64: 1, 128>}, {pipeline_mode = #tpu.pipeline_mode<synchronous>, transform_indices = @transform_8, window_bounds = array<i64: 1, 128>}, {transform_indices = @transform_9, window_bounds = array<i64: 1000, 128>}]} {
    %get3A = arith.constant 0 : index
    %get3A_0 = arith.constant 0 : index
    %get3A_1 = arith.constant 0 : index
    %get3A_2 = vector.load %arg1[%get3A, %get3A_0, %get3A_1] : memref<1x1000x144xf32, #tpu.memory_space<vmem>>, vector<1x1000x144xf32>
    %get3A_3 = vector.shape_cast %get3A_2 : vector<1x1000x144xf32> to vector<1000x144xf32>
    %get3A_4 = arith.constant 0 : index
    %get3A_5 = arith.constant 0 : index
    %get3A_6 = arith.constant 0 : index
    %get3A_7 = vector.load %arg2[%get3A_4, %get3A_5, %get3A_6] : memref<1x1000x144xf32, #tpu.memory_space<vmem>>, vector<1x1000x144xf32>
    %get3A_8 = vector.shape_cast %get3A_7 : vector<1x1000x144xf32> to vector<1000x144xf32>
    %add3A = arith.addf %get3A_3, %get3A_8 : vector<1000x144xf32>
    %slice3A = vector.extract_strided_slice %add3A {offsets = [0, 0], sizes = [1000, 128], strides = [1, 1]} : vector<1000x144xf32> to vector<1000x128xf32>
    %slice3A_9 = vector.extract_strided_slice %add3A {offsets = [0, 128], sizes = [1000, 8], strides = [1, 1]} : vector<1000x144xf32> to vector<1000x8xf32>
    %gt3A = arith.constant 0.000000e+00 : f32
    %gt3A_10 = vector.broadcast %gt3A : f32 to vector<1000x8xf32>
    %gt3A_11 = arith.cmpf ogt, %slice3A_9, %gt3A_10 : vector<1000x8xf32>
    %div3A = arith.constant 1.000000e+00 : f32
    %div3A_12 = vector.broadcast %div3A : f32 to vector<1000x8xf32>
    %div3A_13 = arith.divf %div3A_12, %slice3A_9 : vector<1000x8xf32>
    %jit3A = arith.constant 0.000000e+00 : f32
    %broadcast_in_dim3A = vector.broadcast %jit3A : f32 to vector<1000x8xf32>
    %select_n3A = arith.select %gt3A_11, %div3A_13, %broadcast_in_dim3A : vector<1000x8xi1>, vector<1000x8xf32>
    %get3A_14 = arith.constant 0 : index
    %get3A_15 = arith.constant 0 : index
    %get3A_16 = vector.load %arg4[%get3A_14, %get3A_15] : memref<8x128xf32, #tpu.memory_space<vmem>>, vector<8x128xf32>
    %dot_general3A = arith.constant dense<0.000000e+00> : vector<1000x128xf32>
    %dot_general3A_17 = tpu.matmul %select_n3A, %get3A_16, %dot_general3A {dimension_numbers = #tpu.dot_dimension_numbers<[1], [0], [0], [1], [0, 0, 1, 1], [], []>, transpose_lhs_hint = false} : vector<1000x8xf32>, vector<8x128xf32>, vector<1000x128xf32> -> vector<1000x128xf32>
    %get3A_18 = arith.constant 0 : index
    %get3A_19 = arith.constant 0 : index
    %get3A_20 = vector.load %arg3[%get3A_18, %get3A_19] : memref<1000x128xf32, #tpu.memory_space<vmem>>, vector<1000x128xf32>
    %mul3A = arith.mulf %slice3A, %dot_general3A_17 : vector<1000x128xf32>
    %add3A_21 = arith.addf %mul3A, %get3A_20 : vector<1000x128xf32>
    %gt3A_22 = arith.constant 0.000000e+00 : f32
    %gt3A_23 = vector.broadcast %gt3A_22 : f32 to vector<1000x128xf32>
    %gt3A_24 = arith.cmpf ogt, %add3A_21, %gt3A_23 : vector<1000x128xf32>
    %min3A = arith.constant 0.000000e+00 : f32
    %min3A_25 = vector.broadcast %min3A : f32 to vector<1000x128xf32>
    %min3A_26 = arith.minimumf %add3A_21, %min3A_25 : vector<1000x128xf32>
    %exp3A = math.exp %min3A_26 : vector<1000x128xf32>
    %sub3A = arith.constant 1.000000e+00 : f32
    %sub3A_27 = vector.broadcast %sub3A : f32 to vector<1000x128xf32>
    %sub3A_28 = arith.subf %exp3A, %sub3A_27 : vector<1000x128xf32>
    %select_n3A_29 = arith.select %gt3A_24, %add3A_21, %sub3A_28 : vector<1000x128xi1>, vector<1000x128xf32>
    %get3A_30 = arith.constant 0 : index
    %get3A_31 = arith.constant 0 : index
    %get3A_32 = vector.load %arg5[%get3A_30, %get3A_31] : memref<128x128xf32, #tpu.memory_space<vmem>>, vector<128x128xf32>
    %dot_general3A_33 = arith.constant dense<0.000000e+00> : vector<1000x128xf32>
    %dot_general3A_34 = tpu.matmul %select_n3A_29, %get3A_32, %dot_general3A_33 {dimension_numbers = #tpu.dot_dimension_numbers<[1], [0], [0], [1], [0, 0, 1, 1], [], []>, transpose_lhs_hint = false} : vector<1000x128xf32>, vector<128x128xf32>, vector<1000x128xf32> -> vector<1000x128xf32>
    %sub3A_35 = arith.subf %select_n3A_29, %dot_general3A_34 : vector<1000x128xf32>
    %mul3A_36 = arith.mulf %sub3A_35, %sub3A_35 : vector<1000x128xf32>
    %get3A_37 = arith.constant 0 : index
    %get3A_38 = arith.constant 0 : index
    %get3A_39 = vector.load %arg5[%get3A_37, %get3A_38] : memref<128x128xf32, #tpu.memory_space<vmem>>, vector<128x128xf32>
    %dot_general3A_40 = arith.constant dense<0.000000e+00> : vector<1000x128xf32>
    %dot_general3A_41 = tpu.matmul %mul3A_36, %get3A_39, %dot_general3A_40 {dimension_numbers = #tpu.dot_dimension_numbers<[1], [0], [0], [1], [0, 0, 1, 1], [], []>, transpose_lhs_hint = false} : vector<1000x128xf32>, vector<128x128xf32>, vector<1000x128xf32> -> vector<1000x128xf32>
    %add3A_42 = arith.constant 9.99999974E-6 : f32
    %add3A_43 = vector.broadcast %add3A_42 : f32 to vector<1000x128xf32>
    %add3A_44 = arith.addf %dot_general3A_41, %add3A_43 : vector<1000x128xf32>
    %rsqrt3A = math.rsqrt %add3A_44 : vector<1000x128xf32>
    %mul3A_45 = arith.mulf %sub3A_35, %rsqrt3A : vector<1000x128xf32>
    %get3A_46 = arith.constant 0 : index
    %get3A_47 = arith.constant 0 : index
    %get3A_48 = vector.load %arg7[%get3A_46, %get3A_47] : memref<1x128xf32, #tpu.memory_space<vmem>>, vector<1x128xf32>
    %mul3A_49 = vector.broadcast %get3A_48 : vector<1x128xf32> to vector<1000x128xf32>
    %mul3A_50 = arith.mulf %mul3A_45, %mul3A_49 : vector<1000x128xf32>
    %get3A_51 = arith.constant 0 : index
    %get3A_52 = arith.constant 0 : index
    %get3A_53 = vector.load %arg8[%get3A_51, %get3A_52] : memref<1x128xf32, #tpu.memory_space<vmem>>, vector<1x128xf32>
    %add3A_54 = vector.broadcast %get3A_53 : vector<1x128xf32> to vector<1000x128xf32>
    %add3A_55 = arith.addf %mul3A_50, %add3A_54 : vector<1000x128xf32>
    %get3A_56 = arith.constant 0 : index
    %get3A_57 = arith.constant 0 : index
    %get3A_58 = vector.load %arg6[%get3A_56, %get3A_57] : memref<128x128xf32, #tpu.memory_space<vmem>>, vector<128x128xf32>
    %dot_general3A_59 = arith.constant dense<0.000000e+00> : vector<1000x128xf32>
    %dot_general3A_60 = tpu.matmul %add3A_55, %get3A_58, %dot_general3A_59 {dimension_numbers = #tpu.dot_dimension_numbers<[1], [0], [0], [1], [0, 0, 1, 1], [], []>, transpose_lhs_hint = false} : vector<1000x128xf32>, vector<128x128xf32>, vector<1000x128xf32> -> vector<1000x128xf32>
    %get3A_61 = arith.constant 0 : index
    %get3A_62 = arith.constant 0 : index
    %get3A_63 = vector.load %arg9[%get3A_61, %get3A_62] : memref<1x128xf32, #tpu.memory_space<vmem>>, vector<1x128xf32>
    %add3A_64 = vector.broadcast %get3A_63 : vector<1x128xf32> to vector<1000x128xf32>
    %add3A_65 = arith.addf %dot_general3A_60, %add3A_64 : vector<1000x128xf32>
    %gt3A_66 = arith.constant 0.000000e+00 : f32
    %gt3A_67 = vector.broadcast %gt3A_66 : f32 to vector<1000x128xf32>
    %gt3A_68 = arith.cmpf ogt, %add3A_65, %gt3A_67 : vector<1000x128xf32>
    %min3A_69 = arith.constant 0.000000e+00 : f32
    %min3A_70 = vector.broadcast %min3A_69 : f32 to vector<1000x128xf32>
    %min3A_71 = arith.minimumf %add3A_65, %min3A_70 : vector<1000x128xf32>
    %exp3A_72 = math.exp %min3A_71 : vector<1000x128xf32>
    %sub3A_73 = arith.constant 1.000000e+00 : f32
    %sub3A_74 = vector.broadcast %sub3A_73 : f32 to vector<1000x128xf32>
    %sub3A_75 = arith.subf %exp3A_72, %sub3A_74 : vector<1000x128xf32>
    %select_n3A_76 = arith.select %gt3A_68, %add3A_65, %sub3A_75 : vector<1000x128xi1>, vector<1000x128xf32>
    %swap3A = arith.constant 0 : index
    %swap3A_77 = arith.constant 0 : index
    %swap3A_78 = vector.load %arg10[%swap3A, %swap3A_77] : memref<1000x128xf32, #tpu.memory_space<vmem>>, vector<1000x128xf32>
    tpu.vector_store %arg10[%swap3A, %swap3A_77], %select_n3A_76 {strides = array<i32>} : memref<1000x128xf32, #tpu.memory_space<vmem>>, vector<1000x128xf32>,
    return
  }
  func.func @transform_0(%arg0: i32) -> (i32, i32, i32) {
    %c0_i32 = arith.constant 0 : i32
    %c0_i32_0 = arith.constant 0 : i32
    %c0_i32_1 = arith.constant 0 : i32
    return %c0_i32, %arg0, %c0_i32_0 : i32, i32, i32
  }
  func.func @transform_1(%arg0: i32) -> (i32, i32, i32) {
    %c1_i32 = arith.constant 1 : i32
    %c0_i32 = arith.constant 0 : i32
    %c0_i32_0 = arith.constant 0 : i32
    return %c1_i32, %arg0, %c0_i32 : i32, i32, i32
  }
  func.func @transform_2(%arg0: i32) -> (i32, i32) {
    %c0_i32 = arith.constant 0 : i32
    %c0_i32_0 = arith.constant 0 : i32
    return %arg0, %c0_i32 : i32, i32
  }
  func.func @transform_3(%arg0: i32) -> (i32, i32) {
    %c0_i32 = arith.constant 0 : i32
    %c0_i32_0 = arith.constant 0 : i32
    %c0_i32_1 = arith.constant 0 : i32
    return %c0_i32, %c0_i32_0 : i32, i32
  }
  func.func @transform_4(%arg0: i32) -> (i32, i32) {
    %c0_i32 = arith.constant 0 : i32
    %c0_i32_0 = arith.constant 0 : i32
    %c0_i32_1 = arith.constant 0 : i32
    return %c0_i32, %c0_i32_0 : i32, i32
  }
  func.func @transform_5(%arg0: i32) -> (i32, i32) {
    %c0_i32 = arith.constant 0 : i32
    %c0_i32_0 = arith.constant 0 : i32
    %c0_i32_1 = arith.constant 0 : i32
    return %c0_i32, %c0_i32_0 : i32, i32
  }
  func.func @transform_6(%arg0: i32) -> (i32, i32) {
    %c0_i32 = arith.constant 0 : i32
    %c0_i32_0 = arith.constant 0 : i32
    %c0_i32_1 = arith.constant 0 : i32
    return %c0_i32, %c0_i32_0 : i32, i32
  }
  func.func @transform_7(%arg0: i32) -> (i32, i32) {
    %c0_i32 = arith.constant 0 : i32
    %c0_i32_0 = arith.constant 0 : i32
    %c0_i32_1 = arith.constant 0 : i32
    return %c0_i32, %c0_i32_0 : i32, i32
  }
  func.func @transform_8(%arg0: i32) -> (i32, i32) {
    %c0_i32 = arith.constant 0 : i32
    %c0_i32_0 = arith.constant 0 : i32
    %c0_i32_1 = arith.constant 0 : i32
    return %c0_i32, %c0_i32_0 : i32, i32
  }
  func.func @transform_9(%arg0: i32) -> (i32, i32) {
    %c0_i32 = arith.constant 0 : i32
    %c0_i32_0 = arith.constant 0 : i32
    return %arg0, %c0_i32 : i32, i32
  }
}

</mosaic_0001>

<sc_bundles>
// kernel: kernel.5.cloned.1.call-start
scs
__scs_entry_jumppad:
0x0: {  	(pc) =	sbr.rel $0x88, $3  }
0x1: {  	(tag) =	ssettag $0x0;
	lr =	simm.s32 $0x1  }
0x2: {  	[smem:$0x3F97] =	sst lr;
	_ =	strace $0xD0000000  }
0x3: {  	_ = 	snop  }
0x4: {  	_ = 	snop  }
0x5: {  	_ = 	snop  }
0x6: {  	_ = 	snop  }
0x7: {  	_ = 	snop  }
__scs_overlays_trampoline_lowered:
0x8: {  	[smem:$0x3FA6] =	sst s0  }
0x9: {  	[smem:$0x3FA7] =	sst s1  }
0xa: {  	[smem:$0x3FA8] =	sst s2  }
0xb: {  	[smem:$0x3FA9] =	sst s3  }
0xc: {  	[smem:$0x3FAA] =	sst s4  }
0xd: {  	[smem:$0x3FAB] =	sst s5  }
0xe: {  	[smem:$0x3FAC] =	sst s6  }
0xf: {  	[smem:$0x3FAD] =	sst s7  }
0x10: {  	[smem:$0x3FAE] =	sst s8  }
0x11: {  	[smem:$0x3FAF] =	sst s9;
	s0 =	simm.s32 @!p0 $0x0  }
0x12: {  	s1 =	sld [smem:$0x3F95];
	s0 =	simm.s32 @p0 $0x1  }
0x13: {  	[smem:$0x3FB0] =	sst s0;
	s0 =	simm.s32 @!p1 $0x0  }
0x14: {  	s2 =	sld [smem:$0x3F94];
	s0 =	simm.s32 @p1 $0x1  }
0x15: {  	[smem:$0x3FB1] =	sst s0;
	s0 =	simm.s32 @!p2 $0x0  }
0x16: {  	s3 =	sld [smem:$0x3FDB];
	s0 =	simm.s32 @p2 $0x1  }
0x17: {  	s4 =	simm.s32 $0x1BF5;
	[smem:$0x3FB3] =	sst s0  }
0x18: {  	s0 =	sld [smem:$0x3F96];
	_ =	swait.ge [sflag:s4], $0x0  }
0x19: {  	s7 =	sld [smem:$0x3F97]  }
0x1a: {  	s8 =	sadd.s32 $0xFFFFE003, lr  }
0x1b: {  	s9 =	sadd.s32 $0xFFFFFEF7, lr;
	s5 =	simm.s32 $0xFFFFFFFF;
	p2 =	slt.u32 s8, $0xFFFFF086  }
0x1c: {  	p1 =	slt.u32 s9, $0xF7A;
	s5 =	simm.s32 @!p2 $0x0  }
0x1d: {  	s5 =	simm.s32 @p1 $0x1;
	p0 =	seq.s32 s7, s2  }
0x1e: {  	s7 =	smul.u32 @!p0 $0xF7A, s2;
	p2 =	seq.s32 @!p0 s5, $0x0  }
0x1f: {  	s9 =	smul.u32 $0xF7A, s1;
	s8 =	simm.s32 @!p0 $0x1BF5;
	p2 =	por !p2, p0  }
0x20: {  	[sflag:s8] =	ssyncset.s32 @!p0 $0xFFFFF086;
	s6 =	sadd.s32 @!p0 s3, s7;
	s7 =	simm.s32 @!p0 $0x108  }
0x21: {  	s3 =	sadd.s32 s3, s9;
	s6 =	sadd.s32 @!p0 $0x88, s6;
	s7 =	simm.s32 @p2 $0x1082  }
0x22: {  	[simem:s7], [sflag:s8] =	dma.local @!p0 [hbm:s6], $0xF7A  }
0x23: {  	s9 =	sor.u32 $0xD0000000, s2;
	s6 =	simm.s32 $0x108;
	_ =	swait.ge @!p0 [sflag:s8], $0x0  }
0x24: {  	s3 =	sadd.s32 $0x88, s3;
	s6 =	simm.s32 @!p1 $0x1082;
	[sflag:s4] =	ssyncset.s32 $0xFFFFF086  }
0x25: {  	[simem:s6], [sflag:s4] =	dma.local [hbm:s3], $0xF7A  }
0x26: {  	[smem:$0x3F97] =	sst s1;
	(tag) =	ssettag s2;
	_ =	strace s9  }
0x27: {  	s1 =	sld [smem:$0x3FA7]  }
0x28: {  	s2 =	sld [smem:$0x3FA8]  }
0x29: {  	s4 =	sld [smem:$0x3FAA]  }
0x2a: {  	p0 =	seq.s32 s5, $0x0;
	s5 =	sld [smem:$0x3FAB]  }
0x2b: {  	s6 =	sld [smem:$0x3FAC]  }
0x2c: {  	s7 =	sld [smem:$0x3FAD]  }
0x2d: {  	s3 =	simm.s32 $0x108;
	s8 =	sld [smem:$0x3FAE]  }
0x2e: {  	s3 =	simm.s32 @!p0 $0x1082;
	s9 =	sld [smem:$0x3FAF]  }
0x2f: {  	lr =	sadd.s32 s0, s3;
	s0 =	sld [smem:$0x3FA6]  }
0x30: {  	s3 =	sld [smem:$0x3FA9]  }
0x31: {  	[smem:$0x3FB2] =	sst s10  }
0x32: {  	s10 =	sld [smem:$0x3FB0];
	_ =	sdelay $0x3  }
0x33: {  	p0 =	seq.s32 s10, $0x1;
	s10 =	sld [smem:$0x3FB2];
	_ =	sdelay $0x3  }
0x34: {  	[smem:$0x3FB2] =	sst s10  }
0x35: {  	s10 =	sld [smem:$0x3FB1];
	_ =	sdelay $0x3  }
0x36: {  	p1 =	seq.s32 s10, $0x1;
	s10 =	sld [smem:$0x3FB2];
	_ =	sdelay $0x3  }
0x37: {  	[smem:$0x3FB2] =	sst s10  }
0x38: {  	s10 =	sld [smem:$0x3FB3]  }
0x39: {  	_ = 	snop;
	(pc) =	sbr.ind lr, $3  }
0x3a: {  	_ = 	snop  }
0x3b: {  	_ = 	snop  }
0x3c: {  	p2 =	seq.s32 s10, $0x1;
	s10 =	sld [smem:$0x3FB2]  }
0x3d: {  	_ =	shalt  }
0x3e: {  	_ =	shalt  }
0x3f: {  	_ =	shalt  }
0x40: {  	_ =	shalt  }
0x41: {  	_ =	shalt  }
0x42: {  	_ =	shalt  }
0x43: {  	_ =	shalt  }
0x44: {  	_ =	shalt  }
0x45: {  	_ =	shalt  }
0x46: {  	_ =	shalt  }
0x47: {  	_ =	shalt  }
0x48: {  	_ =	shalt  }
0x49: {  	_ =	shalt  }
0x4a: {  	_ =	shalt  }
0x4b: {  	_ =	shalt  }
0x4c: {  	_ =	shalt  }
0x4d: {  	_ =	shalt  }
0x4e: {  	_ =	shalt  }
0x4f: {  	_ =	shalt  }
0x50: {  	_ =	shalt  }
0x51: {  	_ =	shalt  }
0x52: {  	_ =	shalt  }
0x53: {  	_ =	shalt  }
0x54: {  	_ =	shalt  }
0x55: {  	_ =	shalt  }
0x56: {  	_ =	shalt  }
0x57: {  	_ =	shalt  }
0x58: {  	_ =	shalt  }
0x59: {  	_ =	shalt  }
0x5a: {  	_ =	shalt  }
0x5b: {  	_ =	shalt  }
0x5c: {  	_ =	shalt  }
0x5d: {  	_ =	shalt  }
0x5e: {  	_ =	shalt  }
0x5f: {  	_ =	shalt  }
0x60: {  	_ =	shalt  }
0x61: {  	_ =	shalt  }
0x62: {  	_ =	shalt  }
0x63: {  	_ =	shalt  }
0x64: {  	_ =	shalt  }
0x65: {  	_ =	shalt  }
0x66: {  	_ =	shalt  }
0x67: {  	_ =	shalt  }
0x68: {  	_ =	shalt  }
0x69: {  	_ =	shalt  }
0x6a: {  	_ =	shalt  }
0x6b: {  	_ =	shalt  }
0x6c: {  	_ =	shalt  }
0x6d: {  	_ =	shalt  }
0x6e: {  	_ =	shalt  }
0x6f: {  	_ =	shalt  }
0x70: {  	_ =	shalt  }
0x71: {  	_ =	shalt  }
0x72: {  	_ =	shalt  }
0x73: {  	_ =	shalt  }
0x74: {  	_ =	shalt  }
0x75: {  	_ =	shalt  }
0x76: {  	_ =	shalt  }
0x77: {  	_ =	shalt  }
0x78: {  	_ =	shalt  }
0x79: {  	_ =	shalt  }
0x7a: {  	_ =	shalt  }
0x7b: {  	_ =	shalt  }
0x7c: {  	_ =	shalt  }
0x7d: {  	_ =	shalt  }
0x7e: {  	_ =	shalt  }
0x7f: {  	_ =	shalt  }
0x80: {  	_ =	shalt  }
0x81: {  	_ =	shalt  }
0x82: {  	_ =	shalt  }
0x83: {  	_ =	shalt  }
0x84: {  	_ =	shalt  }
0x85: {  	_ =	shalt  }
0x86: {  	_ =	shalt  }
0x87: {  	_ =	shalt  }
.Lfunc_end0:
.L_simem_size_0:
called_computation_lowered:
.L_overlay_start_0:
0x88: {  	s2 =	sld [smem:$0x3FD9]  }
0x89: {  	s3 =	sld [smem:$0x3FFE];
	_ =	sdelay $0x1  }
0x8a: {  	s1 =	srdreg.scid  }
0x8b: {  	s0 =	sand.u32 $0x1, s1  }
0x8c: {  	s17 =	sshll.u32 s0, $0xA;
	s2 =	sadd.s32 s3, s2  }
0x8d: {  	s2 =	sadd.s32 s2, s17  }
0x8e: {  	[smem:$0x3FBE] =	sst s2  }
0x8f: {  	_ = 	snop  }
0x90: {  	s2 =	sld [smem:$0x3FD0];
	(tm) =	ssettm $0x1  }
0x91: {  	s18 =	sld [smem:$0x3FFB];
	_ =	sdelay $0x3  }
0x92: {  	_ =	strace s18  }
0x93: {  	s3 =	sld [smem:$0x3FFC];
	_ =	sdelay $0x3  }
0x94: {  	_ =	strace s3  }
0x95: {  	s3 =	sld [smem:$0x3FFD];
	_ =	sdelay $0x3  }
0x96: {  	_ =	strace s3  }
0x97: {  	_ =	strace $0x8FFFFFFF  }
0x98: {  	s19 =	sld [smem:$0x3FDB];
	_ =	sdelay $0x1  }
0x99: {  	s4 =	simm.s32 $_scs_section_size  }
0x9a: {  	s5 =	simm.s32 $_size__tile_overlayer_lowered;
	s6 =	simm.s32 $_tile_overlayer_lowered  }
0x9b: {  	s22 =	simm.s32 $0x1BFF;
	s21 =	sshll.u32 s6, $0x1;
	s3 =	sadd.s32 s4, s19  }
0x9c: {  	s7 =	simm.s32 $0x0;
	s20 =	sshll.u32 s5, $0x1;
	s5 =	sadd.s32 s21, s3  }
0x9d: {  	[timem:s7], [sflag:s22] =	dma.local [hbm:s5], s20  }
0x9e: {  	_ =	swait.ge [sflag:s22], s20  }
0x9f: {  	s4 =	ssub.s32 $0x0, s20;
	[sflag:s22] =	ssyncset.done $0x0  }
0xa0: {  	[sflag:s22] =	ssyncadd.s32 s4;
	_ =	sdelay $0x1  }
0xa1: {  	s23 =	simm.s32 $0x1B8B  }
0xa2: {  	_ =	swait.ge [sflag:s23], $0x1  }
0xa3: {  	[sflag:s23] =	ssyncset.done $0x0  }
0xa4: {  	s25 =	simm.s32 $0x1B8E;
	s24 =	sld [smem:$0x3FFE];
	[sflag:s23] =	ssyncadd.s32 $0xFFFFFFFF  }
0xa5: {  	s26 =	simm.s32 $execute0_lowered;
	[smem:$0x3FD2] =	sst s25  }
0xa6: {  	s5 =	sshll.u32 s26, $0x1;
	_ =	strace $0x80000046;
	[dreg:$0x1] =	wrdreg $0xFFFFFFFF  }
0xa7: {  	s28 =	simm.s32 $_size_execute0_lowered;
	s3 =	sadd.s32 s3, s5;
	[dreg:$0x0] =	wrdreg $0x0  }
0xa8: {  	s5 =	sshll.u32 s28, $0x1;
	[dreg:$0x2] =	wrdreg s3  }
0xa9: {  	[dreg:$0x3] =	wrdreg s5  }
0xaa: {  	[dreg:$0x4] =	wrdreg $0xC0  }
0xab: {  	_ =	task [dreg:s7], $0x5FFFF  }
0xac: {  	[dreg:$0x1] =	wrdreg $0xFFFFFFFF  }
0xad: {  	[dreg:$0x0] =	wrdreg $0x60  }
0xae: {  	[dreg:$0x2] =	wrdreg s24  }
0xaf: {  	[dreg:$0x3] =	wrdreg s2  }
0xb0: {  	[dreg:$0x4] =	wrdreg $0x97E00  }
0xb1: {  	[dreg:$0x5] =	wrdreg $0x9  }
0xb2: {  	_ =	task.clear_ibuf [dreg:s7], $0x6FFFF;
	_ =	strace $0x90000046  }
0xb3: {  	s29 =	simm.s32 $0x9;
	_ =	strace $0x80000048  }
0xb4: {  	_ =	swait.ge [sflag:s29], $0x1  }
0xb5: {  	[sflag:s29] =	ssyncadd.s32 $0xFFFFFFFF  }
0xb6: {  	_ =	strace $0x90000048  }
0xb7: {  	_ =	sfence  }
0xb8: {  	s30 =	sld [smem:$0x0];
	_ =	sdelay $0x2  }
0xb9: {  	s31 =	sshll.u32 s1, $0xD;
	s1 =	sshrl.u32 s1, $0x2  }
0xba: {  	s3 =	sand.u32 $0x4000, s31;
	s1 =	sadd.s32 s1, s30  }
0xbb: {  	s0 =	sor.u32 s3, s0;
	s1 =	sshll.u32 s1, $0x11  }
0xbc: {  	s0 =	sor.u32 s1, s0  }
0xbd: {  	s0 =	sadd.s32 $0x8F2B, s0  }
0xbe: {  	[sflag:s0] =	ssyncadd.remote.s32 $0x1  }
0xbf: {  	_ =	sfence.sel $0xFFFF  }
0xc0: {  	[dreg:$0x0] =	wrdreg $0xFFFFFFFF;
	(pc) =	sbr.abs _section_cstart, $3  }
0xc1: {  	[dreg:$0x1] =	wrdreg $0xFFFFFFFF  }
0xc2: {  	_ =	task.clear_ibuf [dreg:s7], $0x2FFFF;
	_ =	strace $0x9FFFFFFF  }
0xc3: {  	(tm) =	ssettm $0x7FFFFFFF  }
tec
execute0_lowered:
.L_overlay_start_1:
0x0: {  	(tag) =	ssettag $0x1  }
0x1: {  	s0 =	rddreg [dreg:$0x0]  }
0x2: {  	s2 =	rddreg [dreg:$0x1]  }
0x3: {  	s3 =	rddreg [dreg:$0x2]  }
0x4: {  	s1 =	srdreg.scid;
	s11 =	stileid.u32;
	s4 =	simm.s32 $0x0  }
0x5: {  	s28 =	simm.s32 $0xF0;
	s29 =	simm.s32 $0x2440;
	s30 =	simm.s32 $0x1  }
0x6: {  	s31 =	simm.s32 $0x3;
	s1 =	sand.u32 $0x1, s1;
	s7 =	smul.u32 $0x16800, s11  }
0x7: {  	[smem:$0x7FF] =	sst s4;
	s5 =	sadd.s32 $0x5800, s0;
	s9 =	smul.u32 $0x5A000, s11  }
0x8: {  	s17 =	sshll.u32 s11, $0x1;
	s6 =	smul.u32 $0x168000, s1;
	_ =	strace $0x80000047  }
0x9: {  	s10 =	ssub.s32 $0x2, s1;
	s1 =	sor.u32 s1, s17;
	s9 =	sshrl.u32 s9, $0x2  }
0xa: {  	s16 =	sshrl.u32 s10, $0x1;
	s11 =	sadd.s32 s7, s3;
	s9 =	sadd.s32 s9, s3  }
0xb: {  	s21 =	smul.u32 $0x4EC, s1;
	[dreg:$0x4] =	wrdreg s11;
	s18 =	sadd.s32 $0x2D00, s9  }
0xc: {  	s15 =	smul.u32 $0x7E, s1;
	s19 =	sadd.s32 $0x5A00, s9;
	[dreg:$0x5] =	wrdreg s18  }
0xd: {  	s1 =	simm.s32 $0x4;
	s20 =	sadd.s32 $0x8700, s9;
	[dreg:$0x6] =	wrdreg s19  }
0xe: {  	s8 =	sadd.s32 s7, s6;
	s22 =	sadd.s32 $0xB400, s9;
	[dreg:$0x7] =	wrdreg s20  }
0xf: {  	s6 =	sadd.s32 $0x800, s0;
	s23 =	sadd.s32 $0xE100, s9;
	[dreg:$0x8] =	wrdreg s22  }
0x10: {  	s8 =	sshrl.u32 s8, $0x3;
	s24 =	sadd.s32 $0x10E00, s9;
	[dreg:$0x9] =	wrdreg s23  }
0x11: {  	s9 =	sadd.s32 $0x13B00, s9;
	s25 =	sadd.s32 s5, s21;
	[dreg:$0xa] =	wrdreg s24  }
0x12: {  	s21 =	simm.s32 $0x50;
	s0 =	sadd.s32 s8, s0;
	[dreg:$0xb] =	wrdreg s9  }
0x13: {  	s8 =	ssub.s32 s10, s16;
	[dreg:$0xc] =	wrdreg s25;
	s19 =	simm.s32 $0x6A40  }
0x14: {  	s20 =	simm.s32 $0x7;
	s22 =	simm.s32 $0x4EC00;
	s25 =	simm.s32 $0xA0  }
0x15: {  	s23 =	simm.s32 $0x3D40;
	s24 =	simm.s32 $0x2;
	s0 =	sadd.s32 $0x19400, s0  }
0x16: {  	s26 =	smax.u32 s8, $0x1;
	s8 =	simm.s32 $0x9790;
	[dreg:$0xd] =	wrdreg s0  }
0x17: {  	v0 =	vimm.f32 $0.0e+00;
	vm0 =	vmmov $0xff;
	[dreg:$0xe] =	wrdreg s26;
	s26 =	simm.s32 $0x640;
	s0 =	simm.s32 $0x9740  }
.LBB2_1:
0x18: {  	s7 =	simm.s32 $0x0;
	s9 =	simm.s32 $0x240  }
.LBB2_2:
0x19: {  	p0 =	sne.s32 s9, $0xB1C0;
	[tilespmem:s7+$0x6AC0] =	vst v0  }
0x1a: {  	[tilespmem:s7+$0x6A40] =	vst v0  }
0x1b: {  	[tilespmem:s7+$0x6A50] =	vst v0  }
0x1c: {  	[tilespmem:s7+$0x6A60] =	vst v0  }
.Ltmp0:
0x1d: {  	[tilespmem:s7+$0x6A70] =	vst v0;
	(pc) =	sbr.rel @p0 .LBB2_2-.Ltmp0, $4  }
0x1e: {  	[tilespmem:s7+$0x6A80] =	vst v0  }
0x1f: {  	[tilespmem:s7+$0x6A90] =	vst v0  }
0x20: {  	[tilespmem:s7+$0x6AA0] =	vst v0  }
0x21: {  	[tilespmem:s7+$0x6AB0] =	vst v0;
	s7 =	sshra.s32 s9, $0x2;
	s9 =	sadd.s32 $0x240, s9  }
0x22: {  	[tilespmem:s7+$0x6AC0] =	vst v0  }
0x23: {  	[tilespmem:s7+$0x6A40] =	vst v0  }
0x24: {  	[tilespmem:s7+$0x6A50] =	vst v0  }
0x25: {  	[tilespmem:s7+$0x6A60] =	vst v0  }
0x26: {  	[tilespmem:s7+$0x6A70] =	vst v0  }
0x27: {  	[tilespmem:s7+$0x6A80] =	vst v0  }
0x28: {  	[tilespmem:s7+$0x6A90] =	vst v0  }
0x29: {  	[tilespmem:s7+$0x6AA0] =	vst v0  }
0x2a: {  	[tilespmem:s7+$0x6AB0] =	vst v0  }
0x2b: {  	[spmem:s11] =	stream.linear.scatter [tilespmem:s19], [sflag:$0x7], $0x2D00, $0x38;
	v63 =	vld [tilespmem:$0x0]  }
0x2c: {  	_ =	swait.ge [sflag:s20], $0x2D00  }
0x2d: {  	[sflag:s20] =	ssyncset.done $0x0  }
0x2e: {  	s18 =	rddreg [dreg:$0x5];
	[sflag:s20] =	ssyncadd.s32 $0xFFFFD300  }
0x2f: {  	[spmem:s18] =	stream.linear.scatter [tilespmem:s19], [sflag:$0x7], $0x2D00, $0x38;
	v63 =	vld [tilespmem:$0x0]  }
0x30: {  	_ =	swait.ge [sflag:s20], $0x2D00  }
0x31: {  	[sflag:s20] =	ssyncset.done $0x0  }
0x32: {  	s9 =	rddreg [dreg:$0x6];
	[sflag:s20] =	ssyncadd.s32 $0xFFFFD300  }
0x33: {  	[spmem:s9] =	stream.linear.scatter [tilespmem:s19], [sflag:$0x7], $0x2D00, $0x38;
	v63 =	vld [tilespmem:$0x0]  }
0x34: {  	_ =	swait.ge [sflag:s20], $0x2D00  }
0x35: {  	[sflag:s20] =	ssyncset.done $0x0  }
0x36: {  	s10 =	rddreg [dreg:$0x7];
	[sflag:s20] =	ssyncadd.s32 $0xFFFFD300  }
0x37: {  	[spmem:s10] =	stream.linear.scatter [tilespmem:s19], [sflag:$0x7], $0x2D00, $0x38;
	v63 =	vld [tilespmem:$0x0]  }
0x38: {  	_ =	swait.ge [sflag:s20], $0x2D00  }
0x39: {  	[sflag:s20] =	ssyncset.done $0x0  }
0x3a: {  	s11 =	rddreg [dreg:$0x8];
	[sflag:s20] =	ssyncadd.s32 $0xFFFFD300  }
0x3b: {  	[spmem:s11] =	stream.linear.scatter [tilespmem:s19], [sflag:$0x7], $0x2D00, $0x38;
	v63 =	vld [tilespmem:$0x0]  }
0x3c: {  	_ =	swait.ge [sflag:s20], $0x2D00  }
0x3d: {  	[sflag:s20] =	ssyncset.done $0x0  }
0x3e: {  	s12 =	rddreg [dreg:$0x9];
	[sflag:s20] =	ssyncadd.s32 $0xFFFFD300  }
0x3f: {  	[spmem:s12] =	stream.linear.scatter [tilespmem:s19], [sflag:$0x7], $0x2D00, $0x38;
	v63 =	vld [tilespmem:$0x0]  }
0x40: {  	_ =	swait.ge [sflag:s20], $0x2D00  }
0x41: {  	[sflag:s20] =	ssyncset.done $0x0  }
0x42: {  	s13 =	rddreg [dreg:$0xa];
	[sflag:s20] =	ssyncadd.s32 $0xFFFFD300  }
0x43: {  	[spmem:s13] =	stream.linear.scatter [tilespmem:s19], [sflag:$0x7], $0x2D00, $0x38;
	v63 =	vld [tilespmem:$0x0]  }
0x44: {  	_ =	swait.ge [sflag:s20], $0x2D00  }
0x45: {  	[sflag:s20] =	ssyncset.done $0x0  }
0x46: {  	s14 =	rddreg [dreg:$0xb];
	[sflag:s20] =	ssyncadd.s32 $0xFFFFD300  }
0x47: {  	[spmem:s14] =	stream.linear.scatter [tilespmem:s19], [sflag:$0x7], $0x2D00, $0x38;
	v63 =	vld [tilespmem:$0x0]  }
0x48: {  	_ =	swait.ge [sflag:s20], $0x2D00  }
0x49: {  	[sflag:s20] =	ssyncset.done $0x0  }
0x4a: {  	s11 =	simm.s32 $0x0;
	s16 =	rddreg [dreg:$0xc];
	[sflag:s20] =	ssyncadd.s32 $0xFFFFD300  }
0x4b: {  	[tilespmem:s11], [sflag:$0x7] =	stream.strided.gather [hbm4b:s16+s21], $0xA0, s22, s21, $0x38;
	v63 =	vld [tilespmem:$0x0]  }
0x4c: {  	_ =	swait.ge [sflag:s20], $0xA0  }
0x4d: {  	[sflag:s20] =	ssyncset.done $0x0  }
0x4e: {  	s17 =	simm.s32 $0x140;
	[sflag:s20] =	ssyncadd.s32 $0xFFFFFF60  }
0x4f: {  	[tilespmem:s17], [sflag:$0x1] =	stream.indirect.gather [hbm4b:s6+s21], $0x10, s11, s21, $0xb8;
	v63 =	vld [tilespmem:$0x0]  }
0x50: {  	s18 =	simm.s32 $0xB40  }
0x51: {  	[tilespmem:s18], [sflag:$0x3] =	stream.indirect.gather [hbm4b:s2+s21], $0x50, s21, s21, $0xb8;
	v63 =	vld [tilespmem:$0x0]  }
0x52: {  	[bflag:$0x0] =	sbarrier.arrive $0xFFFF  }
.LBB2_4:
0x53: {  	s7 =	sshll.u32 s11, $0x1  }
0x54: {  	s7 =	sadd.s32 s15, s7  }
0x55: {  	s12 =	smul.u32 $0x50, s7;
	_ =	sdelay $0x1  }
0x56: {  	s7 =	sshrl.u32 s12, $0x3  }
0x57: {  	s7 =	sadd.s32 s5, s7  }
0x58: {  	s7 =	sadd.s32 $0xA, s7  }
0x59: {  	[tilespmem:s25], [sflag:$0x7] =	stream.strided.gather [hbm4b:s7+s21], $0xA0, s22, s21, $0x38;
	v63 =	vld [tilespmem:$0x0]  }
0x5a: {  	_ =	swait.ge [sflag:s20], $0xA0  }
0x5b: {  	[sflag:s20] =	ssyncset.done $0x0  }
0x5c: {  	[sflag:s20] =	ssyncadd.s32 $0xFFFFFF60  }
0x5d: {  	[tilespmem:s26], [sflag:$0x2] =	stream.indirect.gather [hbm4b:s6+s21], $0x10, s25, s21, $0xb8;
	v63 =	vld [tilespmem:$0x0]  }
0x5e: {  	_ = 	snop  }
0x5f: {  	[tilespmem:s29], [sflag:$0x4] =	stream.indirect.gather [hbm4b:s2+s21], $0x50, s28, s21, $0xb8;
	v63 =	vld [tilespmem:$0x0]  }
0x60: {  	_ =	swait.ge [sflag:s30], $0x500  }
0x61: {  	[sflag:s30] =	ssyncset.done $0x0  }
0x62: {  	[sflag:s30] =	ssyncadd.s32 $0xFFFFFB00  }
0x63: {  	_ =	swait.ge [sflag:s31], $0x1900  }
0x64: {  	p0 =	seq.s32 s11, $0x0;
	[sflag:s31] =	ssyncset.done $0x0  }
0x65: {  	s7 =	simm.s32 @!p0 $0x5;
	[sflag:s31] =	ssyncadd.s32 $0xFFFFE700  }
0x66: {  	_ =	swait.ge @!p0 [sflag:s7], $0x2D00  }
0x67: {  	[sflag:s7] =	ssyncset.done @!p0 $0x0  }
0x68: {  	[sflag:s7] =	ssyncadd.s32 @!p0 $0xFFFFD300  }
0x69: {  	v1 =	vld [tilespmem:$0x0]  }
0x6a: {  	v2 =	vld [tilespmem:$0x10]  }
0x6b: {  	v3 =	vld [tilespmem:$0x20]  }
0x6c: {  	v4 =	vld [tilespmem:$0x30]  }
0x6d: {  	v5 =	vld [tilespmem:$0x40]  }
0x6e: {  	[tilespmem:$0x9740] =	vst v1  }
0x6f: {  	[tilespmem:$0x9750] =	vst v2  }
0x70: {  	[tilespmem:$0x9760] =	vst v3  }
0x71: {  	[tilespmem:$0x9770] =	vst v4  }
0x72: {  	s14 =	simm.s32 $0xBE0;
	[tilespmem:$0x9780] =	vst v5  }
0x73: {  	s18 =	simm.s32 $0x160;
	v1 =	vld [tilespmem:s14+$0xFFFFFFF0]  }
0x74: {  	v2 =	vld [tilespmem:s18+$0xFFFFFFF0];
	_ =	sdelay $0x1  }
0x75: {  	v4 =	vld [tilespmem:s14+$0x90]  }
0x76: {  	v3 =	vld [tilespmem:s18+$0x10]  }
0x77: {  	v5 =	vld [tilespmem:s14+$0x40];
	v1 =	vunpack.i.l.bf16.f32 v1  }
0x78: {  	v6 =	vld [tilespmem:s18+$0x0];
	v1 =	vadd.f32 v2, v1;
	_ =	sdelay $0x1  }
0x79: {  	v8 =	vld [tilespmem:s18+$0xFFFFFFE0];
	v4 =	vunpack.i.l.bf16.f32 v4;
	v7 =	vmul.f32 $2.000000030e-01, v1  }
0x7a: {  	s13 =	simm.s32 $0xD20;
	v2 =	vld [tilespmem:s14+$0xFFFFFFA0];
	v3 =	vadd.f32 v3, v4;
	vm1 =	vge.f32 v1, $0.0e+00  }
0x7b: {  	v24 =	vld [tilespmem:s13+$0xFFFFFFF0];
	s18 =	simm.s32 $0x1A0;
	v5 =	vunpack.i.l.bf16.f32 v5;
	v1 =	vsel vm1, v1, v7  }
0x7c: {  	v33 =	vld [tilespmem:s18+$0xFFFFFFF0];
	v4 =	vadd.f32 v6, v5;
	v5 =	vmul.f32 $2.000000030e-01, v3;
	v1 =	vmul.f32 $1.442695020e+00, v1  }
0x7d: {  	vm1 =	vge.f32 v3, $0.0e+00  }
0x7e: {  	v26 =	vld [tilespmem:s13+$0xFFFFFFA0];
	v3 =	vsel vm1, v3, v5;
	(erf) = vpow2.f32 v1  }
0x7f: {  	v6 =	vmul.f32 $2.000000030e-01, v4;
	v2 =	vunpack.i.l.bf16.f32 v2;
	v3 =	vmul.f32 $1.442695020e+00, v3  }
0x80: {  	v31 =	vld [tilespmem:s18+$0xFFFFFFE0];
	v24 =	vunpack.i.l.bf16.f32 v24;
	vm2 =	vge.f32 v4, $0.0e+00;
	v1 =	vadd.f32 v8, v2  }
0x81: {  	v24 =	vadd.f32 v33, v24;
	v2 =	vsel vm2, v4, v6;
	(erf) = vpow2.f32 v3  }
0x82: {  	v2 =	vmul.f32 $1.442695020e+00, v2;
	v4 =	vmul.f32 $2.000000030e-01, v1  }
0x83: {  	v26 =	vunpack.i.l.bf16.f32 v26;
	v51 =	vmul.f32 $2.000000030e-01, v24;
	vm1 =	vge.f32 v1, $0.0e+00  }
0x84: {  	(erf) = vpow2.f32 v2;
	v1 =	vsel vm1, v1, v4;
	vm1 =	vge.f32 v24, $0.0e+00  }
0x85: {  	v16 =	vld [tilespmem:s14+$0x0];
	v26 =	vadd.f32 v31, v26;
	v1 =	vmul.f32 $1.442695020e+00, v1;
	v24 =	vsel vm1, v24, v51  }
0x86: {  	v2 =	vld [tilespmem:s14+$0xFFFFFFB0];
	v24 =	vmul.f32 $1.442695020e+00, v24  }
0x87: {  	v55 =	vmul.f32 $2.000000030e-01, v26;
	(erf) = vpow2.f32 v1;
	v3 =	vpop (erf)  }
0x88: {  	v4 =	vld [tilespmem:s14+$0x50];
	(erf) = vpow2.f32 v24;
	v5 =	vbroadcast v3, $0x2  }
0x89: {  	v7 =	vbroadcast v3, $0x0;
	v14 =	vbroadcast v3, $0x7  }
0x8a: {  	v25 =	vunpack.i.u.bf16.f32 v16;
	v13 =	vbroadcast v3, $0x3;
	v10 =	vbroadcast v3, $0x1;
	v6 =	vpop (erf)  }
0x8b: {  	v11 =	vunpack.i.u.bf16.f32 v2;
	v23 =	vbroadcast v3, $0x6;
	v12 =	vbroadcast v6, $0x0  }
0x8c: {  	v17 =	vunpack.i.l.bf16.f32 v2;
	v15 =	vbroadcast v6, $0x1;
	v21 =	vbroadcast v6, $0x3  }
0x8d: {  	v34 =	vld [tilespmem:s13+$0x90];
	v9 =	vunpack.i.l.bf16.f32 v4;
	v28 =	vbroadcast v6, $0x4;
	v29 =	vbroadcast v6, $0x5;
	v1 =	vpop (erf)  }
0x8e: {  	v32 =	vbroadcast v6, $0x2;
	v7 =	vsel vm0, v7, v10;
	v10 =	vbroadcast v1, $0x0  }
0x8f: {  	v8 =	vld [tilespmem:s14+$0xFFFFFF60];
	v2 =	vbroadcast v1, $0x6;
	v11 =	vmul.f32 v7, v11;
	v12 =	vsel vm0, v12, v15  }
0x90: {  	v4 =	vunpack.i.u.bf16.f32 v4;
	v7 =	vmul.f32 v7, v17;
	v9 =	vmul.f32 v12, v9  }
0x91: {  	s16 =	simm.s32 $0x3E60;
	v16 =	vunpack.i.l.bf16.f32 v16;
	v17 =	vbroadcast v1, $0x1;
	v4 =	vmul.f32 v12, v4  }
0x92: {  	v50 =	vunpack.i.l.bf16.f32 v34;
	v18 =	vbroadcast v1, $0x2;
	v20 =	vbroadcast v1, $0x3;
	v27 =	vpop (erf);
	[tilespmem:s16+$0x90] =	vst v9  }
0x93: {  	v5 =	vsel vm0, v5, v13;
	[tilespmem:s16+$0xA0] =	vst v4;
	v19 =	vbroadcast v27, $0x1;
	v22 =	vbroadcast v27, $0x0  }
0x94: {  	v15 =	vunpack.i.u.bf16.f32 v8;
	v8 =	vunpack.i.l.bf16.f32 v8;
	v18 =	vsel vm0, v18, v20;
	v20 =	vld [tilespmem:s14+$0x60]  }
0x95: {  	v24 =	vld [tilespmem:s13+$0x50];
	v12 =	vbroadcast v3, $0x4;
	[tilespmem:s16+$0xFFFFFF70] =	vst v7;
	v7 =	vbroadcast v6, $0x6;
	v19 =	vsel vm0, v22, v19  }
0x96: {  	v35 =	vld [tilespmem:s18+$0x10];
	v17 =	vsel vm0, v10, v17;
	v10 =	vbroadcast v1, $0x4;
	v30 =	vmul.f32 v19, v8  }
0x97: {  	v49 =	vld [tilespmem:s18+$0x0];
	v14 =	vsel vm0, v23, v14;
	[tilespmem:s16+$0xFFFFFF80] =	vst v11;
	v9 =	vbroadcast v3, $0x5;
	v15 =	vmul.f32 v19, v15  }
0x98: {  	v21 =	vsel vm0, v32, v21;
	v16 =	vmul.f32 v17, v16;
	v17 =	vmul.f32 v17, v25;
	v19 =	vld [tilespmem:s13+$0x40];
	[tilespmem:s16+$0xFFFFFEE0] =	vst v30  }
0x99: {  	v4 =	vbroadcast v27, $0x2;
	v22 =	vld [tilespmem:s14+$0xFFFFFFC0];
	v37 =	vunpack.i.u.bf16.f32 v20;
	v20 =	vunpack.i.l.bf16.f32 v20;
	[tilespmem:s16+$0xFFFFFEF0] =	vst v15  }
0x9a: {  	v56 =	vunpack.i.l.bf16.f32 v24;
	v36 =	vbroadcast v27, $0x3;
	v15 =	vmul.f32 v20, v21;
	v20 =	vld [tilespmem:s14+$0xFFFFFF70]  }
0x9b: {  	v25 =	vunpack.i.u.bf16.f32 v24;
	v11 =	vbroadcast v27, $0x4;
	v30 =	vadd.f32 v35, v50  }
0x9c: {  	v57 =	vbroadcast v27, $0x5;
	v24 =	vbroadcast v27, $0x7;
	v4 =	vsel vm0, v4, v36  }
0x9d: {  	v31 =	vmul.f32 v21, v37;
	v21 =	vmul.f32 $2.000000030e-01, v30;
	v19 =	vunpack.i.l.bf16.f32 v19  }
0x9e: {  	[tilespmem:s16+$0x0] =	vst v16;
	v13 =	vunpack.i.u.bf16.f32 v22;
	vm1 =	vge.f32 v30, $0.0e+00;
	v19 =	vadd.f32 v49, v19  }
0x9f: {  	[tilespmem:s16+$0x10] =	vst v17;
	v22 =	vunpack.i.l.bf16.f32 v22;
	v21 =	vsel vm1, v30, v21;
	v17 =	vunpack.i.u.bf16.f32 v20  }
0xa0: {  	[tilespmem:s16+$0xB0] =	vst v15;
	v30 =	vld [tilespmem:s13+$0xFFFFFFB0];
	v32 =	vmul.f32 $2.000000030e-01, v19;
	v20 =	vunpack.i.l.bf16.f32 v20;
	v17 =	vmul.f32 v4, v17  }
0xa1: {  	v13 =	vmul.f32 v5, v13;
	[tilespmem:s16+$0xC0] =	vst v31;
	vm2 =	vge.f32 v19, $0.0e+00;
	v4 =	vmul.f32 v20, v4  }
0xa2: {  	v53 =	vmul.f32 v22, v5;
	v5 =	vsel vm2, v19, v32;
	v19 =	vmul.f32 $1.442695020e+00, v21;
	v21 =	vld [tilespmem:s14+$0x10];
	[tilespmem:s16+$0xFFFFFF10] =	vst v17  }
0xa3: {  	v9 =	vsel vm0, v12, v9;
	v12 =	vbroadcast v1, $0x5;
	v16 =	vbroadcast v27, $0x6;
	v58 =	vld [tilespmem:s14+$0x70];
	[tilespmem:s16+$0xFFFFFF00] =	vst v4  }
0xa4: {  	v45 =	vsel vm0, v11, v57;
	v5 =	vmul.f32 $1.442695020e+00, v5;
	(erf) = vpow2.f32 v19;
	v42 =	vld [tilespmem:s14+$0xFFFFFF80]  }
0xa5: {  	v8 =	vbroadcast v6, $0x7;
	vm1 =	vge.f32 v26, $0.0e+00;
	v39 =	vunpack.i.u.bf16.f32 v30  }
0xa6: {  	v41 =	vunpack.i.l.bf16.f32 v30;
	v30 =	vsel vm0, v28, v29;
	(erf) = vpow2.f32 v5  }
0xa7: {  	v5 =	vsel vm1, v26, v55;
	v15 =	vunpack.i.u.bf16.f32 v21;
	v21 =	vunpack.i.l.bf16.f32 v21  }
0xa8: {  	v52 =	vld [tilespmem:s13+$0xFFFFFF60];
	v28 =	vunpack.i.u.bf16.f32 v58;
	v5 =	vmul.f32 $1.442695020e+00, v5;
	v43 =	vmul.f32 v21, v18  }
0xa9: {  	v28 =	vmul.f32 v28, v30;
	v59 =	vmul.f32 v18, v15;
	v23 =	vunpack.i.l.bf16.f32 v42  }
0xaa: {  	v54 =	vld [tilespmem:s13+$0x0];
	(erf) = vpow2.f32 v5;
	v44 =	vunpack.i.u.bf16.f32 v42;
	v15 =	vpop (erf);
	[tilespmem:s16+$0x20] =	vst v43;
	v43 =	vmul.f32 v23, v45  }
0xab: {  	v42 =	vmul.f32 v44, v45;
	v26 =	vbroadcast v15, $0x2  }
0xac: {  	v36 =	vnsel vm0, $0x0, v27;
	v40 =	vbroadcast v15, $0x0;
	v29 =	vbroadcast v15, $0x1  }
0xad: {  	v22 =	vunpack.i.l.bf16.f32 v52;
	[tilespmem:s16+$0xFFFFFFA0] =	vst v13;
	v4 =	vbroadcast v15, $0x7;
	v31 =	vbroadcast v15, $0x3;
	v20 =	vpop (erf)  }
0xae: {  	[tilespmem:s16+$0xFFFFFF90] =	vst v53;
	v5 =	vbroadcast v15, $0x6;
	v29 =	vsel vm0, v40, v29;
	v60 =	vbroadcast v20, $0x0  }
0xaf: {  	v17 =	vunpack.i.u.bf16.f32 v54;
	v40 =	vld [tilespmem:s14+$0xFFFFFFD0];
	v61 =	vbroadcast v20, $0x1;
	v62 =	vmul.f32 v29, v39  }
0xb0: {  	v38 =	vunpack.i.l.bf16.f32 v58;
	[tilespmem:s16+$0xE0] =	vst v28;
	v18 =	vpop (erf);
	v29 =	vmul.f32 v29, v41;
	v37 =	vbroadcast v20, $0x3  }
0xb1: {  	s9 =	simm.s32 $0x40A0;
	[tilespmem:s16+$0x30] =	vst v59;
	v33 =	vbroadcast v18, $0x0;
	v13 =	vbroadcast v18, $0x6;
	v39 =	vsel vm0, v60, v61  }
0xb2: {  	v19 =	vunpack.i.u.bf16.f32 v52;
	v35 =	vbroadcast v18, $0x1;
	[tilespmem:s9+$0xFFFFFF80] =	vst v62;
	v32 =	vmul.f32 v39, v56  }
0xb3: {  	v21 =	vunpack.i.l.bf16.f32 v54;
	v28 =	vbroadcast v18, $0x2;
	v34 =	vbroadcast v18, $0x3;
	[tilespmem:s9+$0xFFFFFF70] =	vst v29;
	v11 =	vpop (erf)  }
0xb4: {  	s10 =	simm.s32 $0x4;
	s17 =	simm.s32 $0x40A0;
	s7 =	simm.s32 $0xE60;
	v41 =	vbroadcast v11, $0x1;
	v27 =	vbroadcast v11, $0x0;
	v29 =	vunpack.i.u.bf16.f32 v40;
	[tilespmem:s9+$0x90] =	vst v32;
	v32 =	vld [tilespmem:s14+$0x20]  }
.LBB2_5:
0xb5: {  	v44 =	vld [tilespmem:s7+$0xFFFFFFF0];
	s10 =	sadd.s32 $0x4, s10;
	v23 =	vbroadcast v11, $0x4;
	s18 =	sadd.s32 $0x40, s18;
	[tilespmem:s16+$0xFFFFFF20] =	vst v43;
	v40 =	vunpack.i.l.bf16.f32 v40;
	v38 =	vmul.f32 v38, v30  }
0xb6: {  	v43 =	vld [tilespmem:s7+$0xFFFFFFA0];
	p1 =	slt.u32 s10, $0x4C;
	v41 =	vsel vm0, v27, v41;
	v27 =	vbroadcast v20, $0x4;
	[tilespmem:s16+$0xFFFFFF30] =	vst v42;
	v40 =	vmul.f32 v40, v9  }
0xb7: {  	v45 =	vbroadcast v15, $0x5;
	v30 =	vbroadcast v20, $0x5;
	v46 =	vnsel vm0, $0x0, v6;
	v6 =	vmovc v20;
	v42 =	vld [tilespmem:s18+$0x10];
	[tilespmem:s16+$0xD0] =	vst v38  }
0xb8: {  	v28 =	vsel vm0, v28, v34;
	v20 =	vmul.f32 v39, v25;
	v22 =	vmul.f32 v41, v22;
	[tilespmem:s16+$0xFFFFFFB0] =	vst v40;
	v25 =	vld [tilespmem:s14+$0x80]  }
0xb9: {  	v34 =	vbroadcast v11, $0x2;
	v33 =	vsel vm0, v33, v35;
	v38 =	vld [tilespmem:s13+$0xFFFFFFC0];
	v35 =	vunpack.i.l.bf16.f32 v32;
	[tilespmem:s16+$0x110] =	vst v46  }
0xba: {  	v40 =	vbroadcast v15, $0x4;
	v46 =	vbroadcast v6, $0x2;
	v39 =	vld [tilespmem:s18+$0xFFFFFFE0];
	[tilespmem:s9+$0xA0] =	vst v20;
	v20 =	vnsel vm0, $0x0, v1  }
0xbb: {  	v24 =	vsel vm0, v16, v24;
	v48 =	vbroadcast v6, $0x6;
	v49 =	vbroadcast v6, $0x7;
	v47 =	vld [tilespmem:s13+$0x60]  }
0xbc: {  	v16 =	vbroadcast v18, $0x4;
	v40 =	vsel vm0, v40, v45;
	v45 =	vbroadcast v18, $0x5;
	v50 =	vld [tilespmem:s14+$0xFFFFFF90]  }
0xbd: {  	v19 =	vmul.f32 v41, v19;
	v41 =	vnsel vm0, $0x0, v3;
	v3 =	vmovc v15;
	v44 =	vunpack.i.l.bf16.f32 v44;
	v51 =	vld [tilespmem:s7+$0x40];
	[tilespmem:s9+$0xFFFFFEE0] =	vst v22  }
0xbe: {  	v26 =	vsel vm0, v26, v31;
	v31 =	vbroadcast v1, $0x7;
	v1 =	vmovc v18;
	v22 =	vbroadcast v11, $0x3;
	v15 =	vld [tilespmem:s18+$0xFFFFFFF0]  }
0xbf: {  	v18 =	vunpack.i.l.bf16.f32 v43;
	v37 =	vsel vm0, v46, v37;
	v43 =	vld [tilespmem:s7+$0x90];
	[tilespmem:s9+$0xFFFFFEF0] =	vst v19;
	v19 =	vunpack.i.u.bf16.f32 v38  }
0xc0: {  	v46 =	vld [tilespmem:s18+$0x0];
	v19 =	vmul.f32 v26, v19;
	v52 =	vunpack.i.u.bf16.f32 v47;
	v47 =	vunpack.i.l.bf16.f32 v47;
	[tilespmem:s16+$0xFFFFFF60] =	vst v36  }
0xc1: {  	v18 =	vadd.f32 v39, v18;
	v39 =	vsel vm0, v10, v12;
	v10 =	vmovc v16;
	v36 =	vmul.f32 v37, v52  }
0xc2: {  	v34 =	vsel vm0, v34, v22;
	v16 =	vunpack.i.l.bf16.f32 v38;
	v12 =	vmovc v45;
	v22 =	vmul.f32 v47, v37  }
0xc3: {  	v16 =	vmul.f32 v16, v26;
	v15 =	vadd.f32 v15, v44;
	[tilespmem:s9+$0xFFFFFFA0] =	vst v19;
	v19 =	vunpack.i.u.bf16.f32 v50  }
0xc4: {  	v26 =	vunpack.i.l.bf16.f32 v51;
	v37 =	vunpack.i.l.bf16.f32 v43;
	[tilespmem:s9+$0xB0] =	vst v22;
	v19 =	vmul.f32 v19, v24  }
0xc5: {  	vm1 =	vge.f32 v15, $0.0e+00;
	v22 =	vadd.f32 v46, v26;
	v26 =	vadd.f32 v42, v37;
	v37 =	vld [tilespmem:s13+$0xFFFFFF70];
	[tilespmem:s9+$0xFFFFFF90] =	vst v16  }
0xc6: {  	v38 =	vmul.f32 $2.000000030e-01, v15;
	v16 =	vbroadcast v11, $0x6;
	v42 =	vunpack.i.l.bf16.f32 v50;
	[tilespmem:s16+$0xFFFFFF50] =	vst v19  }
0xc7: {  	v32 =	vunpack.i.u.bf16.f32 v32;
	vm2 =	vge.f32 v26, $0.0e+00;
	v19 =	vmul.f32 $2.000000030e-01, v26  }
0xc8: {  	v24 =	vmul.f32 v42, v24;
	v15 =	vsel vm1, v15, v38;
	vm1 =	vge.f32 v22, $0.0e+00  }
0xc9: {  	v38 =	vmul.f32 $2.000000030e-01, v22;
	v19 =	vsel vm2, v26, v19;
	v26 =	vmul.f32 v32, v39  }
0xca: {  	v21 =	vmul.f32 v33, v21;
	v15 =	vmul.f32 $1.442695020e+00, v15;
	v32 =	vld [tilespmem:s7+$0xFFFFFF60];
	[tilespmem:s16+$0xFFFFFF40] =	vst v24;
	v24 =	vunpack.i.u.bf16.f32 v25  }
0xcb: {  	v17 =	vmul.f32 v33, v17;
	v22 =	vsel vm1, v22, v38;
	v42 =	vunpack.i.u.bf16.f32 v37;
	v38 =	vld [tilespmem:s7+$0x50];
	[tilespmem:s16+$0x50] =	vst v26  }
0xcc: {  	v26 =	vmul.f32 $1.442695020e+00, v19;
	v19 =	vmul.f32 v29, v9;
	v9 =	vmovc v40;
	v33 =	vld [tilespmem:s7+$0x0];
	[tilespmem:s9+$0x0] =	vst v21;
	v21 =	vunpack.i.l.bf16.f32 v25  }
0xcd: {  	v40 =	vmul.f32 $1.442695020e+00, v22;
	v25 =	vunpack.i.l.bf16.f32 v37;
	v29 =	vld [tilespmem:s7+$0xFFFFFFB0];
	[tilespmem:s9+$0x10] =	vst v17;
	v17 =	vmul.f32 v35, v39  }
0xce: {  	v37 =	vsel vm0, v7, v8;
	v7 =	vmovc v48;
	(erf) = vpow2.f32 v15;
	v15 =	vmul.f32 v34, v42;
	v35 =	vld [tilespmem:s13+$0x10];
	[tilespmem:s16+$0xFFFFFFC0] =	vst v19  }
0xcf: {  	v8 =	vmovc v49;
	v19 =	vunpack.i.u.bf16.f32 v32;
	v22 =	vunpack.i.l.bf16.f32 v32;
	v32 =	vmul.f32 v25, v34;
	v34 =	vld [tilespmem:s14+$0xFFFFFFE0];
	[tilespmem:s16+$0x40] =	vst v17  }
0xd0: {  	s9 =	sadd.s32 $0x240, s9;
	v21 =	vmul.f32 v21, v37;
	v25 =	vunpack.i.u.bf16.f32 v38;
	v42 =	vunpack.i.l.bf16.f32 v38;
	v38 =	vld [tilespmem:s14+$0x30];
	s14 =	smov.u32 s13;
	s13 =	smov.u32 s7  }
0xd1: {  	vm1 =	vge.f32 v18, $0.0e+00;
	v24 =	vmul.f32 v24, v37;
	v17 =	vmul.f32 $2.000000030e-01, v18;
	[tilespmem:s16+$0xFFFFFFF0] =	vst v41  }
0xd2: {  	v31 =	vsel vm0, v2, v31;
	v2 =	vmovc v13;
	v37 =	vbroadcast v11, $0x5;
	(erf) = vpow2.f32 v26;
	[tilespmem:s17+$0xFFFFFF10] =	vst v15  }
0xd3: {  	v13 =	vsel vm1, v18, v17;
	(erf) = vpow2.f32 v40;
	v15 =	vunpack.i.u.bf16.f32 v35;
	[tilespmem:s16+$0x100] =	vst v24  }
0xd4: {  	v17 =	vunpack.i.u.bf16.f32 v33;
	v24 =	vbroadcast v11, $0x7;
	v18 =	vmul.f32 v28, v15;
	[tilespmem:s17+$0xC0] =	vst v36  }
0xd5: {  	v13 =	vmul.f32 $1.442695020e+00, v13;
	v36 =	vunpack.i.u.bf16.f32 v29;
	v39 =	vld [tilespmem:s14+$0x70];
	v40 =	vunpack.i.u.bf16.f32 v38;
	[tilespmem:s16+$0xF0] =	vst v21  }
0xd6: {  	v29 =	vunpack.i.l.bf16.f32 v29;
	v21 =	vunpack.i.l.bf16.f32 v38;
	[tilespmem:s17+$0xFFFFFF00] =	vst v32;
	v32 =	vunpack.i.u.bf16.f32 v34  }
0xd7: {  	(erf) = vpow2.f32 v13;
	v15 =	vpop (erf);
	v13 =	vunpack.i.l.bf16.f32 v35;
	[tilespmem:s17+$0x30] =	vst v18;
	v18 =	vmul.f32 v21, v31  }
0xd8: {  	v34 =	vunpack.i.l.bf16.f32 v34;
	v21 =	vmul.f32 v40, v31;
	v26 =	vbroadcast v15, $0x2;
	v43 =	vld [tilespmem:s14+$0xFFFFFF80];
	[tilespmem:s16+$0x80] =	vst v20  }
0xd9: {  	v30 =	vsel vm0, v27, v30;
	v35 =	vbroadcast v15, $0x0;
	v41 =	vbroadcast v15, $0x7;
	[tilespmem:s16+$0x60] =	vst v18  }
0xda: {  	v31 =	vbroadcast v15, $0x3;
	v27 =	vbroadcast v15, $0x6;
	v40 =	vunpack.i.u.bf16.f32 v39;
	[tilespmem:s16+$0x70] =	vst v21  }
0xdb: {  	v44 =	vbroadcast v15, $0x1;
	v28 =	vmul.f32 v13, v28;
	v38 =	vunpack.i.l.bf16.f32 v39;
	v20 =	vpop (erf)  }
0xdc: {  	v32 =	vmul.f32 v32, v14;
	v21 =	vunpack.i.l.bf16.f32 v33;
	v39 =	vbroadcast v20, $0x0;
	v18 =	vpop (erf)  }
0xdd: {  	v35 =	vsel vm0, v35, v44;
	v44 =	vbroadcast v20, $0x1;
	v33 =	vbroadcast v18, $0x0  }
0xde: {  	v13 =	vbroadcast v18, $0x6;
	v45 =	vunpack.i.u.bf16.f32 v43;
	[tilespmem:s17+$0x20] =	vst v28;
	v28 =	vmul.f32 v40, v30  }
0xdf: {  	v23 =	vsel vm0, v23, v37;
	v34 =	vmul.f32 v34, v14;
	v36 =	vmul.f32 v35, v36;
	v40 =	vld [tilespmem:s14+$0xFFFFFFD0];
	[tilespmem:s16+$0xFFFFFFE0] =	vst v32  }
.Ltmp1:
0xe0: {  	v29 =	vmul.f32 v35, v29;
	v35 =	vbroadcast v18, $0x1;
	v39 =	vsel vm0, v39, v44;
	v32 =	vpop (erf);
	[tilespmem:s17+$0xE0] =	vst v28;
	(pc) =	sbr.rel @p1 .LBB2_5-.Ltmp1, $4  }
0xe1: {  	v14 =	vsel vm0, v5, v4;
	v4 =	vmovc v41;
	v37 =	vmul.f32 v39, v42;
	v28 =	vbroadcast v18, $0x2;
	[tilespmem:s16+$0xFFFFFFD0] =	vst v34;
	s16 =	smov.u32 s17;
	s17 =	smov.u32 s9  }
0xe2: {  	v5 =	vmovc v27;
	v42 =	vunpack.i.l.bf16.f32 v43;
	v41 =	vbroadcast v32, $0x1;
	v34 =	vbroadcast v18, $0x3;
	[tilespmem:s9+$0xFFFFFF80] =	vst v36  }
0xe3: {  	v43 =	vmul.f32 v42, v23;
	v36 =	vnsel vm0, $0x0, v11;
	v11 =	vmovc v32;
	[tilespmem:s9+$0x90] =	vst v37;
	v37 =	vbroadcast v20, $0x3  }
0xe4: {  	s7 =	sadd.s32 $0x140, s7;
	v42 =	vmul.f32 v45, v23;
	v27 =	vbroadcast v11, $0x0;
	[tilespmem:s9+$0xFFFFFF70] =	vst v29;
	v29 =	vunpack.i.u.bf16.f32 v40;
	v32 =	vld [tilespmem:s14+$0x20]  }
0xe5: {  	v23 =	vmul.f32 v39, v25;
	[tilespmem:s16+$0xFFFFFF20] =	vst v43  }
0xe6: {  	v25 =	vmul.f32 v38, v30;
	[tilespmem:s16+$0xFFFFFF30] =	vst v42  }
0xe7: {  	v30 =	vunpack.i.l.bf16.f32 v40;
	[tilespmem:s9+$0xA0] =	vst v23  }
0xe8: {  	v60 =	vld [tilespmem:s13+$0xFFFFFFC0];
	v6 =	vnsel vm0, $0x0, v6;
	v27 =	vsel vm0, v27, v41;
	v23 =	vmul.f32 v30, v9;
	[tilespmem:s16+$0xD0] =	vst v25  }
0xe9: {  	v22 =	vmul.f32 v27, v22;
	v30 =	vld [tilespmem:s14+$0x80];
	[tilespmem:s16+$0x110] =	vst v6  }
0xea: {  	v19 =	vmul.f32 v27, v19;
	[tilespmem:s16+$0xFFFFFFB0] =	vst v23  }
0xeb: {  	v10 =	vsel vm0, v10, v12;
	v9 =	vmul.f32 v29, v9;
	v25 =	vld [tilespmem:s13+$0x60];
	[tilespmem:s9+$0xFFFFFEE0] =	vst v22  }
0xec: {  	v3 =	vnsel vm0, $0x0, v3;
	v7 =	vsel vm0, v7, v8;
	v23 =	vld [tilespmem:s14+$0xFFFFFF90];
	[tilespmem:s9+$0xFFFFFEF0] =	vst v19;
	v12 =	vunpack.i.u.bf16.f32 v32  }
0xed: {  	v22 =	vsel vm0, v26, v31;
	[tilespmem:s16+$0xFFFFFFC0] =	vst v9;
	v26 =	vunpack.i.u.bf16.f32 v60;
	v12 =	vmul.f32 v12, v10  }
0xee: {  	v6 =	vbroadcast v20, $0x2;
	v27 =	vunpack.i.l.bf16.f32 v60;
	v8 =	vld [tilespmem:s14+$0xFFFFFFE0];
	[tilespmem:s16+$0xFFFFFFF0] =	vst v3;
	v19 =	vmul.f32 v22, v26  }
0xef: {  	v22 =	vmul.f32 v27, v22;
	[tilespmem:s16+$0x50] =	vst v12;
	v12 =	vunpack.i.l.bf16.f32 v32  }
0xf0: {  	v6 =	vsel vm0, v6, v37;
	v26 =	vunpack.i.l.bf16.f32 v25;
	[tilespmem:s9+$0xFFFFFFA0] =	vst v19;
	v10 =	vmul.f32 v12, v10  }
0xf1: {  	v16 =	vsel vm0, v16, v24;
	[tilespmem:s9+$0xFFFFFF90] =	vst v22;
	v26 =	vmul.f32 v26, v6;
	v19 =	vunpack.i.u.bf16.f32 v23  }
0xf2: {  	v23 =	vunpack.i.l.bf16.f32 v23;
	v19 =	vmul.f32 v19, v16;
	[tilespmem:s16+$0x40] =	vst v10  }
0xf3: {  	v22 =	vsel vm0, v33, v35;
	v9 =	vunpack.i.u.bf16.f32 v30;
	v16 =	vmul.f32 v23, v16;
	v23 =	vld [tilespmem:s13+$0xFFFFFF70];
	[tilespmem:s9+$0xB0] =	vst v26  }
0xf4: {  	v3 =	vmul.f32 v9, v7;
	[tilespmem:s16+$0xFFFFFF50] =	vst v19;
	v19 =	vmul.f32 v22, v21  }
0xf5: {  	[tilespmem:s16+$0xFFFFFF40] =	vst v16;
	v16 =	vbroadcast v11, $0x2;
	v21 =	vbroadcast v11, $0x3  }
0xf6: {  	v17 =	vmul.f32 v22, v17;
	[tilespmem:s16+$0x100] =	vst v3  }
0xf7: {  	v3 =	vbroadcast v1, $0x7;
	[tilespmem:s9+$0x0] =	vst v19;
	v12 =	vsel vm0, v16, v21;
	v19 =	vunpack.i.u.bf16.f32 v25;
	v21 =	vld [tilespmem:s14+$0x30]  }
0xf8: {  	[tilespmem:s9+$0x10] =	vst v17;
	v1 =	vnsel vm0, $0x0, v1;
	v16 =	vunpack.i.u.bf16.f32 v23;
	v6 =	vmul.f32 v6, v19  }
0xf9: {  	[tilespmem:s16+$0x80] =	vst v1;
	v17 =	vld [tilespmem:s13+$0x10];
	v19 =	vunpack.i.l.bf16.f32 v23;
	v16 =	vmul.f32 v12, v16  }
0xfa: {  	v10 =	vbroadcast v11, $0x4;
	v22 =	vunpack.i.l.bf16.f32 v30;
	v12 =	vmul.f32 v19, v12;
	[tilespmem:s17+$0xC0] =	vst v6  }
0xfb: {  	v7 =	vmul.f32 v22, v7;
	v1 =	vbroadcast v11, $0x5;
	[tilespmem:s17+$0xFFFFFF10] =	vst v16  }
0xfc: {  	v9 =	vbroadcast v20, $0x4;
	v2 =	vsel vm0, v2, v3;
	v22 =	vld [tilespmem:s13+$0x70];
	[tilespmem:s17+$0xFFFFFF00] =	vst v12;
	v3 =	vunpack.i.l.bf16.f32 v21  }
0xfd: {  	[tilespmem:s16+$0xF0] =	vst v7;
	v1 =	vsel vm0, v10, v1;
	v7 =	vld [tilespmem:s13+$0xFFFFFF80];
	v21 =	vunpack.i.u.bf16.f32 v21;
	v3 =	vmul.f32 v3, v2  }
0xfe: {  	[tilespmem:s16+$0xFFFFFF60] =	vst v36;
	v16 =	vsel vm0, v28, v34;
	v19 =	vunpack.i.u.bf16.f32 v17;
	v2 =	vmul.f32 v21, v2  }
0xff: {  	v12 =	vbroadcast v20, $0x5;
	v17 =	vunpack.i.l.bf16.f32 v17;
	v19 =	vmul.f32 v16, v19;
	[tilespmem:s16+$0x60] =	vst v3  }
0x100: {  	v6 =	vbroadcast v15, $0x5;
	v21 =	vunpack.i.u.bf16.f32 v8;
	v3 =	vmul.f32 v17, v16;
	[tilespmem:s16+$0x70] =	vst v2  }
0x101: {  	v9 =	vsel vm0, v9, v12;
	v2 =	vmul.f32 v21, v14;
	v16 =	vld [tilespmem:s13+$0xFFFFFFD0];
	[tilespmem:s17+$0x30] =	vst v19;
	v12 =	vunpack.i.u.bf16.f32 v22  }
0x102: {  	v8 =	vunpack.i.l.bf16.f32 v8;
	[tilespmem:s17+$0x20] =	vst v3;
	v3 =	vmul.f32 v12, v9;
	v10 =	vunpack.i.l.bf16.f32 v7  }
0x103: {  	v19 =	vbroadcast v15, $0x4;
	v7 =	vunpack.i.u.bf16.f32 v7;
	[tilespmem:s16+$0xFFFFFFE0] =	vst v2;
	v2 =	vmul.f32 v10, v1;
	v10 =	vld [tilespmem:s13+$0x20]  }
0x104: {  	v8 =	vmul.f32 v8, v14;
	v1 =	vmul.f32 v7, v1;
	[tilespmem:s17+$0xE0] =	vst v3  }
0x105: {  	v6 =	vsel vm0, v19, v6;
	v7 =	vunpack.i.l.bf16.f32 v22;
	v3 =	vbroadcast v18, $0x4;
	[tilespmem:s17+$0xFFFFFF20] =	vst v2  }
0x106: {  	v7 =	vmul.f32 v7, v9;
	v2 =	vbroadcast v18, $0x5;
	v12 =	vunpack.i.l.bf16.f32 v16;
	[tilespmem:s17+$0xFFFFFF30] =	vst v1  }
0x107: {  	[tilespmem:s16+$0xFFFFFFD0] =	vst v8;
	v1 =	vmul.f32 v12, v6;
	v8 =	vld [tilespmem:s13+$0xFFFFFF90]  }
0x108: {  	v9 =	vbroadcast v11, $0x6;
	[tilespmem:s17+$0xD0] =	vst v7;
	v2 =	vsel vm0, v3, v2;
	v3 =	vunpack.i.u.bf16.f32 v10  }
0x109: {  	v7 =	vnsel vm0, $0x0, v20;
	[tilespmem:s17+$0xFFFFFFB0] =	vst v1;
	v10 =	vunpack.i.l.bf16.f32 v10;
	v3 =	vmul.f32 v3, v2  }
0x10a: {  	v12 =	vbroadcast v11, $0x7;
	v1 =	vld [tilespmem:s13+$0x80];
	[tilespmem:s17+$0x110] =	vst v7;
	v2 =	vmul.f32 v10, v2  }
0x10b: {  	v7 =	vbroadcast v20, $0x6;
	v10 =	vnsel vm0, $0x0, v11;
	v11 =	vunpack.i.u.bf16.f32 v16;
	[tilespmem:s17+$0x50] =	vst v3  }
0x10c: {  	v6 =	vmul.f32 v11, v6;
	v3 =	vsel vm0, v9, v12;
	v9 =	vunpack.i.u.bf16.f32 v8;
	[tilespmem:s17+$0x40] =	vst v2  }
0x10d: {  	[tilespmem:s17+$0xFFFFFF60] =	vst v10;
	v2 =	vbroadcast v20, $0x7;
	v8 =	vunpack.i.l.bf16.f32 v8;
	v9 =	vmul.f32 v9, v3;
	v10 =	vld [tilespmem:s13+$0x30]  }
0x10e: {  	v3 =	vmul.f32 v8, v3;
	[tilespmem:s17+$0xFFFFFFC0] =	vst v6  }
0x10f: {  	v6 =	vnsel vm0, $0x0, v15;
	v8 =	vunpack.i.u.bf16.f32 v1;
	v2 =	vsel vm0, v7, v2;
	v7 =	vld [tilespmem:s13+$0xFFFFFFE0];
	[tilespmem:s17+$0xFFFFFF50] =	vst v9  }
0x110: {  	v1 =	vunpack.i.l.bf16.f32 v1;
	v9 =	vbroadcast v18, $0x7;
	[tilespmem:s17+$0xFFFFFF40] =	vst v3;
	v3 =	vmul.f32 v8, v2  }
0x111: {  	[tilespmem:s17+$0xFFFFFFF0] =	vst v6;
	v1 =	vmul.f32 v1, v2  }
0x112: {  	v2 =	vsel vm0, v13, v9;
	[tilespmem:s17+$0x100] =	vst v3;
	v3 =	vunpack.i.l.bf16.f32 v10  }
0x113: {  	v6 =	vnsel vm0, $0x0, v18;
	[tilespmem:s17+$0xF0] =	vst v1;
	v8 =	vunpack.i.u.bf16.f32 v10;
	v1 =	vmul.f32 v3, v2  }
0x114: {  	[tilespmem:s17+$0x80] =	vst v6;
	v3 =	vsel vm0, v5, v4;
	v4 =	vunpack.i.u.bf16.f32 v7;
	v2 =	vmul.f32 v8, v2  }
0x115: {  	v5 =	vunpack.i.l.bf16.f32 v7;
	[tilespmem:s17+$0x60] =	vst v1;
	v1 =	vmul.f32 v4, v3  }
0x116: {  	p1 =	seq.s32 s11, $0x3E;
	[tilespmem:s17+$0x70] =	vst v2;
	v2 =	vmul.f32 v5, v3  }
0x117: {  	s7 =	sshrl.u32 @!p1 s12, $0x3;
	[tilespmem:s17+$0xFFFFFFE0] =	vst v1  }
0x118: {  	s10 =	simm.s32 @!p1 $0x4EC00;
	s7 =	sadd.s32 @!p1 s5, s7;
	[tilespmem:s17+$0xFFFFFFD0] =	vst v2  }
0x119: {  	[spmem:s3] =	stream.indirect.scatter.add.f32 [tilespmem:s23], [sflag:$0x5], $0x90, s0, s21, $0xb8;
	v63 =	vld [tilespmem:$0x0]  }
0x11a: {  	s12 =	simm.s32 @!p1 $0x0;
	s7 =	sadd.s32 @!p1 $0x14, s7;
	s9 =	simm.s32 @!p1 $0x50  }
0x11b: {  	[tilespmem:s12], [sflag:$0x7] =	stream.strided.gather @!p1 [hbm4b:s7+s9], $0xA0, s10, s9, $0x38;
	v63 =	vld [tilespmem:$0x0]  }
0x11c: {  	s7 =	simm.s32 @!p1 $0x7  }
0x11d: {  	_ =	swait.ge @!p1 [sflag:s7], $0xA0  }
0x11e: {  	[sflag:s7] =	ssyncset.done @!p1 $0x0  }
0x11f: {  	[sflag:s7] =	ssyncadd.s32 @!p1 $0xFFFFFF60;
	s7 =	simm.s32 @!p1 $0x140  }
0x120: {  	[tilespmem:s7], [sflag:$0x1] =	stream.indirect.gather @!p1 [hbm4b:s6+s9], $0x10, s12, s9, $0xb8;
	v63 =	vld [tilespmem:$0x0]  }
0x121: {  	s7 =	simm.s32 @!p1 $0xB40  }
0x122: {  	[tilespmem:s7], [sflag:$0x3] =	stream.indirect.gather @!p1 [hbm4b:s2+s9], $0x50, s9, s9, $0xb8;
	v63 =	vld [tilespmem:$0x0]  }
0x123: {  	_ =	swait.ge [sflag:s24], $0x500  }
0x124: {  	[sflag:s24] =	ssyncset.done $0x0  }
0x125: {  	[sflag:s24] =	ssyncadd.s32 $0xFFFFFB00  }
0x126: {  	_ =	swait.ge [sflag:s1], $0x1900  }
0x127: {  	[sflag:s1] =	ssyncset.done $0x0  }
0x128: {  	s7 =	simm.s32 @!p0 $0x6;
	[sflag:s1] =	ssyncadd.s32 $0xFFFFE700  }
0x129: {  	_ =	swait.ge @!p0 [sflag:s7], $0x2D00  }
0x12a: {  	[sflag:s7] =	ssyncset.done @!p0 $0x0  }
0x12b: {  	[sflag:s7] =	ssyncadd.s32 @!p0 $0xFFFFD300  }
0x12c: {  	v1 =	vld [tilespmem:$0xA0]  }
0x12d: {  	v2 =	vld [tilespmem:$0xB0]  }
0x12e: {  	v3 =	vld [tilespmem:$0xC0]  }
0x12f: {  	v4 =	vld [tilespmem:$0xD0]  }
0x130: {  	v5 =	vld [tilespmem:$0xE0]  }
0x131: {  	[tilespmem:$0x9790] =	vst v1  }
0x132: {  	[tilespmem:$0x97A0] =	vst v2  }
0x133: {  	[tilespmem:$0x97B0] =	vst v3  }
0x134: {  	[tilespmem:$0x97C0] =	vst v4  }
0x135: {  	s13 =	simm.s32 $0x24E0;
	[tilespmem:$0x97D0] =	vst v5  }
0x136: {  	s18 =	simm.s32 $0x660;
	v1 =	vld [tilespmem:s13+$0xFFFFFFF0]  }
0x137: {  	v2 =	vld [tilespmem:s18+$0xFFFFFFF0];
	_ =	sdelay $0x1  }
0x138: {  	v4 =	vld [tilespmem:s13+$0x90]  }
0x139: {  	v3 =	vld [tilespmem:s18+$0x10]  }
0x13a: {  	v5 =	vld [tilespmem:s13+$0x40];
	v1 =	vunpack.i.l.bf16.f32 v1  }
0x13b: {  	v6 =	vld [tilespmem:s18+$0x0];
	v1 =	vadd.f32 v2, v1;
	_ =	sdelay $0x1  }
0x13c: {  	v8 =	vld [tilespmem:s18+$0xFFFFFFE0];
	v4 =	vunpack.i.l.bf16.f32 v4;
	v7 =	vmul.f32 $2.000000030e-01, v1  }
0x13d: {  	s12 =	simm.s32 $0x2620;
	v2 =	vld [tilespmem:s13+$0xFFFFFFA0];
	v3 =	vadd.f32 v3, v4;
	vm1 =	vge.f32 v1, $0.0e+00  }
0x13e: {  	s17 =	simm.s32 $0x6A0;
	v24 =	vld [tilespmem:s12+$0xFFFFFFF0];
	v5 =	vunpack.i.l.bf16.f32 v5;
	v1 =	vsel vm1, v1, v7  }
0x13f: {  	v62 =	vld [tilespmem:s17+$0xFFFFFFF0];
	v4 =	vadd.f32 v6, v5;
	v5 =	vmul.f32 $2.000000030e-01, v3;
	v1 =	vmul.f32 $1.442695020e+00, v1  }
0x140: {  	vm1 =	vge.f32 v3, $0.0e+00  }
0x141: {  	v26 =	vld [tilespmem:s12+$0xFFFFFFA0];
	v3 =	vsel vm1, v3, v5;
	(erf) = vpow2.f32 v1  }
0x142: {  	v6 =	vmul.f32 $2.000000030e-01, v4;
	v2 =	vunpack.i.l.bf16.f32 v2;
	v3 =	vmul.f32 $1.442695020e+00, v3  }
0x143: {  	v31 =	vld [tilespmem:s17+$0xFFFFFFE0];
	v24 =	vunpack.i.l.bf16.f32 v24;
	vm2 =	vge.f32 v4, $0.0e+00;
	v1 =	vadd.f32 v8, v2  }
0x144: {  	v24 =	vadd.f32 v62, v24;
	v2 =	vsel vm2, v4, v6;
	(erf) = vpow2.f32 v3  }
0x145: {  	v2 =	vmul.f32 $1.442695020e+00, v2;
	v4 =	vmul.f32 $2.000000030e-01, v1  }
0x146: {  	v26 =	vunpack.i.l.bf16.f32 v26;
	v46 =	vmul.f32 $2.000000030e-01, v24;
	vm1 =	vge.f32 v1, $0.0e+00  }
0x147: {  	v16 =	vld [tilespmem:s13+$0x0];
	(erf) = vpow2.f32 v2;
	v1 =	vsel vm1, v1, v4;
	vm1 =	vge.f32 v24, $0.0e+00  }
0x148: {  	v26 =	vadd.f32 v31, v26;
	v1 =	vmul.f32 $1.442695020e+00, v1;
	v24 =	vsel vm1, v24, v46  }
0x149: {  	v2 =	vld [tilespmem:s13+$0xFFFFFFB0];
	v24 =	vmul.f32 $1.442695020e+00, v24  }
0x14a: {  	v50 =	vmul.f32 $2.000000030e-01, v26;
	(erf) = vpow2.f32 v1;
	v3 =	vpop (erf)  }
0x14b: {  	v4 =	vld [tilespmem:s13+$0x50];
	(erf) = vpow2.f32 v24;
	v5 =	vbroadcast v3, $0x2  }
0x14c: {  	v25 =	vunpack.i.u.bf16.f32 v16;
	v7 =	vbroadcast v3, $0x0;
	v14 =	vbroadcast v3, $0x7  }
0x14d: {  	v16 =	vunpack.i.l.bf16.f32 v16;
	v13 =	vbroadcast v3, $0x3;
	v10 =	vbroadcast v3, $0x1;
	v6 =	vpop (erf)  }
0x14e: {  	v11 =	vunpack.i.u.bf16.f32 v2;
	v23 =	vbroadcast v3, $0x6;
	v12 =	vbroadcast v6, $0x0  }
0x14f: {  	v40 =	vld [tilespmem:s12+$0x90];
	v17 =	vunpack.i.l.bf16.f32 v2;
	v15 =	vbroadcast v6, $0x1;
	v21 =	vbroadcast v6, $0x3  }
0x150: {  	v8 =	vld [tilespmem:s13+$0xFFFFFF60];
	v9 =	vunpack.i.l.bf16.f32 v4;
	v28 =	vbroadcast v6, $0x4;
	v29 =	vbroadcast v6, $0x5;
	v1 =	vpop (erf)  }
0x151: {  	v61 =	vbroadcast v6, $0x2;
	v7 =	vsel vm0, v7, v10;
	v10 =	vbroadcast v1, $0x0  }
0x152: {  	v2 =	vbroadcast v1, $0x6;
	v11 =	vmul.f32 v7, v11;
	v12 =	vsel vm0, v12, v15  }
0x153: {  	v4 =	vunpack.i.u.bf16.f32 v4;
	v7 =	vmul.f32 v7, v17;
	v9 =	vmul.f32 v12, v9  }
0x154: {  	s14 =	simm.s32 $0x6B60;
	v45 =	vunpack.i.l.bf16.f32 v40;
	v17 =	vbroadcast v1, $0x1;
	v4 =	vmul.f32 v12, v4  }
0x155: {  	v15 =	vunpack.i.u.bf16.f32 v8;
	v18 =	vbroadcast v1, $0x2;
	v20 =	vbroadcast v1, $0x3;
	v27 =	vpop (erf);
	[tilespmem:s14+$0x90] =	vst v9  }
0x156: {  	v24 =	vld [tilespmem:s12+$0x50];
	v8 =	vunpack.i.l.bf16.f32 v8;
	[tilespmem:s14+$0xA0] =	vst v4;
	v19 =	vbroadcast v27, $0x1;
	v22 =	vbroadcast v27, $0x0  }
0x157: {  	v12 =	vbroadcast v3, $0x4;
	v18 =	vsel vm0, v18, v20;
	v17 =	vsel vm0, v10, v17;
	v20 =	vld [tilespmem:s13+$0x60]  }
0x158: {  	[tilespmem:s14+$0xFFFFFF70] =	vst v7;
	v7 =	vbroadcast v6, $0x6;
	v10 =	vbroadcast v1, $0x4;
	v19 =	vsel vm0, v22, v19  }
0x159: {  	v41 =	vld [tilespmem:s17+$0x10];
	v5 =	vsel vm0, v5, v13;
	v9 =	vbroadcast v3, $0x5;
	v30 =	vmul.f32 v19, v8  }
0x15a: {  	v43 =	vld [tilespmem:s17+$0x0];
	v21 =	vsel vm0, v61, v21;
	[tilespmem:s14+$0xFFFFFF80] =	vst v11;
	v16 =	vmul.f32 v17, v16;
	v15 =	vmul.f32 v19, v15  }
0x15b: {  	v51 =	vunpack.i.l.bf16.f32 v24;
	v17 =	vmul.f32 v17, v25;
	v11 =	vbroadcast v27, $0x4;
	v19 =	vld [tilespmem:s12+$0x40];
	[tilespmem:s14+$0xFFFFFEE0] =	vst v30  }
0x15c: {  	v4 =	vbroadcast v27, $0x2;
	v22 =	vld [tilespmem:s13+$0xFFFFFFC0];
	v44 =	vunpack.i.u.bf16.f32 v20;
	v20 =	vunpack.i.l.bf16.f32 v20;
	[tilespmem:s14+$0xFFFFFEF0] =	vst v15  }
0x15d: {  	v25 =	vunpack.i.u.bf16.f32 v24;
	v42 =	vbroadcast v27, $0x3;
	v15 =	vmul.f32 v20, v21;
	v20 =	vld [tilespmem:s13+$0xFFFFFF70]  }
0x15e: {  	v52 =	vbroadcast v27, $0x5;
	v24 =	vbroadcast v27, $0x7;
	v30 =	vadd.f32 v41, v45  }
0x15f: {  	v9 =	vsel vm0, v12, v9;
	v12 =	vbroadcast v1, $0x5;
	v4 =	vsel vm0, v4, v42  }
0x160: {  	v31 =	vmul.f32 v21, v44;
	v21 =	vmul.f32 $2.000000030e-01, v30;
	v19 =	vunpack.i.l.bf16.f32 v19  }
0x161: {  	[tilespmem:s14+$0x10] =	vst v17;
	v13 =	vunpack.i.u.bf16.f32 v22;
	vm1 =	vge.f32 v30, $0.0e+00;
	v19 =	vadd.f32 v43, v19  }
0x162: {  	v22 =	vunpack.i.l.bf16.f32 v22;
	[tilespmem:s14+$0xB0] =	vst v15;
	v21 =	vsel vm1, v30, v21;
	v17 =	vunpack.i.u.bf16.f32 v20  }
0x163: {  	[tilespmem:s14+$0xC0] =	vst v31;
	v30 =	vld [tilespmem:s12+$0xFFFFFFB0];
	v32 =	vmul.f32 $2.000000030e-01, v19;
	v20 =	vunpack.i.l.bf16.f32 v20;
	v17 =	vmul.f32 v4, v17  }
0x164: {  	[tilespmem:s14+$0x0] =	vst v16;
	v13 =	vmul.f32 v5, v13;
	v53 =	vld [tilespmem:s13+$0x70];
	vm2 =	vge.f32 v19, $0.0e+00;
	v4 =	vmul.f32 v20, v4  }
0x165: {  	v48 =	vmul.f32 v22, v5;
	v5 =	vsel vm2, v19, v32;
	v19 =	vmul.f32 $1.442695020e+00, v21;
	v21 =	vld [tilespmem:s13+$0x10];
	[tilespmem:s14+$0xFFFFFF10] =	vst v17  }
0x166: {  	v16 =	vbroadcast v27, $0x6;
	v8 =	vbroadcast v6, $0x7;
	[tilespmem:s14+$0xFFFFFF00] =	vst v4  }
0x167: {  	v14 =	vsel vm0, v23, v14;
	v5 =	vmul.f32 $1.442695020e+00, v5;
	(erf) = vpow2.f32 v19;
	v57 =	vld [tilespmem:s13+$0xFFFFFF80]  }
0x168: {  	vm1 =	vge.f32 v26, $0.0e+00;
	v55 =	vunpack.i.u.bf16.f32 v30;
	v56 =	vunpack.i.l.bf16.f32 v30  }
0x169: {  	v30 =	vsel vm0, v28, v29;
	(erf) = vpow2.f32 v5;
	v5 =	vsel vm1, v26, v50  }
0x16a: {  	v28 =	vunpack.i.u.bf16.f32 v53;
	v5 =	vmul.f32 $1.442695020e+00, v5;
	v15 =	vunpack.i.u.bf16.f32 v21  }
0x16b: {  	v47 =	vld [tilespmem:s12+$0xFFFFFF60];
	v45 =	vsel vm0, v11, v52;
	v28 =	vmul.f32 v28, v30;
	v21 =	vunpack.i.l.bf16.f32 v21  }
0x16c: {  	v54 =	vmul.f32 v18, v15;
	(erf) = vpow2.f32 v5;
	v23 =	vunpack.i.l.bf16.f32 v57  }
0x16d: {  	v49 =	vld [tilespmem:s12+$0x0];
	v59 =	vmul.f32 v21, v18;
	v44 =	vunpack.i.u.bf16.f32 v57;
	v15 =	vpop (erf);
	v43 =	vmul.f32 v23, v45  }
0x16e: {  	v42 =	vmul.f32 v44, v45;
	v26 =	vbroadcast v15, $0x2  }
0x16f: {  	v36 =	vnsel vm0, $0x0, v27;
	v58 =	vbroadcast v15, $0x0;
	v29 =	vbroadcast v15, $0x1  }
0x170: {  	v22 =	vunpack.i.l.bf16.f32 v47;
	[tilespmem:s14+$0xFFFFFFA0] =	vst v13;
	v4 =	vbroadcast v15, $0x7;
	v31 =	vbroadcast v15, $0x3;
	v20 =	vpop (erf)  }
0x171: {  	[tilespmem:s14+$0xFFFFFF90] =	vst v48;
	v5 =	vbroadcast v15, $0x6;
	v29 =	vsel vm0, v58, v29;
	v60 =	vbroadcast v20, $0x0  }
0x172: {  	v40 =	vld [tilespmem:s13+$0xFFFFFFD0];
	v17 =	vunpack.i.u.bf16.f32 v49;
	[tilespmem:s14+$0xE0] =	vst v28;
	v61 =	vbroadcast v20, $0x1;
	v62 =	vmul.f32 v29, v55  }
0x173: {  	v38 =	vunpack.i.l.bf16.f32 v53;
	[tilespmem:s14+$0x30] =	vst v54;
	v18 =	vpop (erf);
	v29 =	vmul.f32 v29, v56;
	v37 =	vbroadcast v20, $0x3  }
0x174: {  	s9 =	simm.s32 $0x6DA0;
	[tilespmem:s14+$0x20] =	vst v59;
	v33 =	vbroadcast v18, $0x0;
	v13 =	vbroadcast v18, $0x6;
	v39 =	vsel vm0, v60, v61  }
0x175: {  	v19 =	vunpack.i.u.bf16.f32 v47;
	v35 =	vbroadcast v18, $0x1;
	[tilespmem:s9+$0xFFFFFF80] =	vst v62;
	v32 =	vmul.f32 v39, v51  }
0x176: {  	v21 =	vunpack.i.l.bf16.f32 v49;
	v28 =	vbroadcast v18, $0x2;
	v34 =	vbroadcast v18, $0x3;
	[tilespmem:s9+$0xFFFFFF70] =	vst v29;
	v11 =	vpop (erf)  }
0x177: {  	s16 =	simm.s32 $0x6DA0;
	s10 =	simm.s32 $0x4;
	s7 =	simm.s32 $0x2760;
	v29 =	vunpack.i.u.bf16.f32 v40;
	v41 =	vbroadcast v11, $0x1;
	v27 =	vbroadcast v11, $0x0;
	[tilespmem:s9+$0x90] =	vst v32;
	v32 =	vld [tilespmem:s13+$0x20]  }
.LBB2_7:
0x178: {  	v44 =	vld [tilespmem:s7+$0xFFFFFFF0];
	s10 =	sadd.s32 $0x4, s10;
	v23 =	vbroadcast v11, $0x4;
	s17 =	sadd.s32 $0x40, s17;
	[tilespmem:s14+$0xFFFFFF20] =	vst v43;
	v40 =	vunpack.i.l.bf16.f32 v40;
	v38 =	vmul.f32 v38, v30  }
0x179: {  	v43 =	vld [tilespmem:s7+$0xFFFFFFA0];
	p0 =	slt.u32 s10, $0x4C;
	v41 =	vsel vm0, v27, v41;
	v27 =	vbroadcast v20, $0x4;
	[tilespmem:s14+$0xFFFFFF30] =	vst v42;
	v40 =	vmul.f32 v40, v9  }
0x17a: {  	v45 =	vbroadcast v15, $0x5;
	v30 =	vbroadcast v20, $0x5;
	v46 =	vnsel vm0, $0x0, v6;
	v6 =	vmovc v20;
	v42 =	vld [tilespmem:s17+$0x10];
	[tilespmem:s14+$0xD0] =	vst v38  }
0x17b: {  	v28 =	vsel vm0, v28, v34;
	v20 =	vmul.f32 v39, v25;
	v22 =	vmul.f32 v41, v22;
	[tilespmem:s14+$0xFFFFFFB0] =	vst v40;
	v25 =	vld [tilespmem:s13+$0x80]  }
0x17c: {  	v34 =	vbroadcast v11, $0x2;
	v33 =	vsel vm0, v33, v35;
	v38 =	vld [tilespmem:s12+$0xFFFFFFC0];
	v35 =	vunpack.i.l.bf16.f32 v32;
	[tilespmem:s14+$0x110] =	vst v46  }
0x17d: {  	v40 =	vbroadcast v15, $0x4;
	v46 =	vbroadcast v6, $0x2;
	v39 =	vld [tilespmem:s17+$0xFFFFFFE0];
	[tilespmem:s9+$0xA0] =	vst v20;
	v20 =	vnsel vm0, $0x0, v1  }
0x17e: {  	v24 =	vsel vm0, v16, v24;
	v48 =	vbroadcast v6, $0x6;
	v49 =	vbroadcast v6, $0x7;
	v47 =	vld [tilespmem:s12+$0x60]  }
0x17f: {  	v16 =	vbroadcast v18, $0x4;
	v40 =	vsel vm0, v40, v45;
	v45 =	vbroadcast v18, $0x5;
	v50 =	vld [tilespmem:s13+$0xFFFFFF90]  }
0x180: {  	v19 =	vmul.f32 v41, v19;
	v41 =	vnsel vm0, $0x0, v3;
	v3 =	vmovc v15;
	v44 =	vunpack.i.l.bf16.f32 v44;
	v51 =	vld [tilespmem:s7+$0x40];
	[tilespmem:s9+$0xFFFFFEE0] =	vst v22  }
0x181: {  	v26 =	vsel vm0, v26, v31;
	v31 =	vbroadcast v1, $0x7;
	v1 =	vmovc v18;
	v22 =	vbroadcast v11, $0x3;
	v15 =	vld [tilespmem:s17+$0xFFFFFFF0]  }
0x182: {  	v18 =	vunpack.i.l.bf16.f32 v43;
	v37 =	vsel vm0, v46, v37;
	v43 =	vld [tilespmem:s7+$0x90];
	[tilespmem:s9+$0xFFFFFEF0] =	vst v19;
	v19 =	vunpack.i.u.bf16.f32 v38  }
0x183: {  	v46 =	vld [tilespmem:s17+$0x0];
	v19 =	vmul.f32 v26, v19;
	v52 =	vunpack.i.u.bf16.f32 v47;
	v47 =	vunpack.i.l.bf16.f32 v47;
	[tilespmem:s14+$0xFFFFFF60] =	vst v36  }
0x184: {  	v18 =	vadd.f32 v39, v18;
	v39 =	vsel vm0, v10, v12;
	v10 =	vmovc v16;
	v36 =	vmul.f32 v37, v52  }
0x185: {  	v34 =	vsel vm0, v34, v22;
	v16 =	vunpack.i.l.bf16.f32 v38;
	v12 =	vmovc v45;
	v22 =	vmul.f32 v47, v37  }
0x186: {  	v16 =	vmul.f32 v16, v26;
	v15 =	vadd.f32 v15, v44;
	[tilespmem:s9+$0xFFFFFFA0] =	vst v19;
	v19 =	vunpack.i.u.bf16.f32 v50  }
0x187: {  	v26 =	vunpack.i.l.bf16.f32 v51;
	v37 =	vunpack.i.l.bf16.f32 v43;
	[tilespmem:s9+$0xB0] =	vst v22;
	v19 =	vmul.f32 v19, v24  }
0x188: {  	vm1 =	vge.f32 v15, $0.0e+00;
	v22 =	vadd.f32 v46, v26;
	v26 =	vadd.f32 v42, v37;
	v37 =	vld [tilespmem:s12+$0xFFFFFF70];
	[tilespmem:s9+$0xFFFFFF90] =	vst v16  }
0x189: {  	v38 =	vmul.f32 $2.000000030e-01, v15;
	v16 =	vbroadcast v11, $0x6;
	v42 =	vunpack.i.l.bf16.f32 v50;
	[tilespmem:s14+$0xFFFFFF50] =	vst v19  }
0x18a: {  	v32 =	vunpack.i.u.bf16.f32 v32;
	vm2 =	vge.f32 v26, $0.0e+00;
	v19 =	vmul.f32 $2.000000030e-01, v26  }
0x18b: {  	v24 =	vmul.f32 v42, v24;
	v15 =	vsel vm1, v15, v38;
	vm1 =	vge.f32 v22, $0.0e+00  }
0x18c: {  	v38 =	vmul.f32 $2.000000030e-01, v22;
	v19 =	vsel vm2, v26, v19;
	v26 =	vmul.f32 v32, v39  }
0x18d: {  	v21 =	vmul.f32 v33, v21;
	v15 =	vmul.f32 $1.442695020e+00, v15;
	v32 =	vld [tilespmem:s7+$0xFFFFFF60];
	[tilespmem:s14+$0xFFFFFF40] =	vst v24;
	v24 =	vunpack.i.u.bf16.f32 v25  }
0x18e: {  	v17 =	vmul.f32 v33, v17;
	v22 =	vsel vm1, v22, v38;
	v42 =	vunpack.i.u.bf16.f32 v37;
	v38 =	vld [tilespmem:s7+$0x50];
	[tilespmem:s14+$0x50] =	vst v26  }
0x18f: {  	v26 =	vmul.f32 $1.442695020e+00, v19;
	v19 =	vmul.f32 v29, v9;
	v9 =	vmovc v40;
	v33 =	vld [tilespmem:s7+$0x0];
	[tilespmem:s9+$0x0] =	vst v21;
	v21 =	vunpack.i.l.bf16.f32 v25  }
0x190: {  	v40 =	vmul.f32 $1.442695020e+00, v22;
	v25 =	vunpack.i.l.bf16.f32 v37;
	v29 =	vld [tilespmem:s7+$0xFFFFFFB0];
	[tilespmem:s9+$0x10] =	vst v17;
	v17 =	vmul.f32 v35, v39  }
0x191: {  	v37 =	vsel vm0, v7, v8;
	v7 =	vmovc v48;
	(erf) = vpow2.f32 v15;
	v15 =	vmul.f32 v34, v42;
	v35 =	vld [tilespmem:s12+$0x10];
	[tilespmem:s14+$0xFFFFFFC0] =	vst v19  }
0x192: {  	v8 =	vmovc v49;
	v19 =	vunpack.i.u.bf16.f32 v32;
	v22 =	vunpack.i.l.bf16.f32 v32;
	v32 =	vmul.f32 v25, v34;
	v34 =	vld [tilespmem:s13+$0xFFFFFFE0];
	[tilespmem:s14+$0x40] =	vst v17  }
0x193: {  	s9 =	sadd.s32 $0x240, s9;
	v21 =	vmul.f32 v21, v37;
	v25 =	vunpack.i.u.bf16.f32 v38;
	v42 =	vunpack.i.l.bf16.f32 v38;
	v38 =	vld [tilespmem:s13+$0x30];
	s13 =	smov.u32 s12;
	s12 =	smov.u32 s7  }
0x194: {  	vm1 =	vge.f32 v18, $0.0e+00;
	v24 =	vmul.f32 v24, v37;
	v17 =	vmul.f32 $2.000000030e-01, v18;
	[tilespmem:s14+$0xFFFFFFF0] =	vst v41  }
0x195: {  	v31 =	vsel vm0, v2, v31;
	v2 =	vmovc v13;
	v37 =	vbroadcast v11, $0x5;
	(erf) = vpow2.f32 v26;
	[tilespmem:s16+$0xFFFFFF10] =	vst v15  }
0x196: {  	v13 =	vsel vm1, v18, v17;
	(erf) = vpow2.f32 v40;
	v15 =	vunpack.i.u.bf16.f32 v35;
	[tilespmem:s14+$0x100] =	vst v24  }
0x197: {  	v17 =	vunpack.i.u.bf16.f32 v33;
	v24 =	vbroadcast v11, $0x7;
	v18 =	vmul.f32 v28, v15;
	[tilespmem:s16+$0xC0] =	vst v36  }
0x198: {  	v13 =	vmul.f32 $1.442695020e+00, v13;
	v36 =	vunpack.i.u.bf16.f32 v29;
	v39 =	vld [tilespmem:s13+$0x70];
	v40 =	vunpack.i.u.bf16.f32 v38;
	[tilespmem:s14+$0xF0] =	vst v21  }
0x199: {  	v29 =	vunpack.i.l.bf16.f32 v29;
	v21 =	vunpack.i.l.bf16.f32 v38;
	[tilespmem:s16+$0xFFFFFF00] =	vst v32;
	v32 =	vunpack.i.u.bf16.f32 v34  }
0x19a: {  	(erf) = vpow2.f32 v13;
	v15 =	vpop (erf);
	v13 =	vunpack.i.l.bf16.f32 v35;
	[tilespmem:s16+$0x30] =	vst v18;
	v18 =	vmul.f32 v21, v31  }
0x19b: {  	v34 =	vunpack.i.l.bf16.f32 v34;
	v21 =	vmul.f32 v40, v31;
	v26 =	vbroadcast v15, $0x2;
	v43 =	vld [tilespmem:s13+$0xFFFFFF80];
	[tilespmem:s14+$0x80] =	vst v20  }
0x19c: {  	v30 =	vsel vm0, v27, v30;
	v35 =	vbroadcast v15, $0x0;
	v41 =	vbroadcast v15, $0x7;
	[tilespmem:s14+$0x60] =	vst v18  }
0x19d: {  	v31 =	vbroadcast v15, $0x3;
	v27 =	vbroadcast v15, $0x6;
	v40 =	vunpack.i.u.bf16.f32 v39;
	[tilespmem:s14+$0x70] =	vst v21  }
0x19e: {  	v44 =	vbroadcast v15, $0x1;
	v28 =	vmul.f32 v13, v28;
	v38 =	vunpack.i.l.bf16.f32 v39;
	v20 =	vpop (erf)  }
0x19f: {  	v32 =	vmul.f32 v32, v14;
	v21 =	vunpack.i.l.bf16.f32 v33;
	v39 =	vbroadcast v20, $0x0;
	v18 =	vpop (erf)  }
0x1a0: {  	v35 =	vsel vm0, v35, v44;
	v44 =	vbroadcast v20, $0x1;
	v33 =	vbroadcast v18, $0x0  }
0x1a1: {  	v13 =	vbroadcast v18, $0x6;
	v45 =	vunpack.i.u.bf16.f32 v43;
	[tilespmem:s16+$0x20] =	vst v28;
	v28 =	vmul.f32 v40, v30  }
0x1a2: {  	v23 =	vsel vm0, v23, v37;
	v34 =	vmul.f32 v34, v14;
	v36 =	vmul.f32 v35, v36;
	v40 =	vld [tilespmem:s13+$0xFFFFFFD0];
	[tilespmem:s14+$0xFFFFFFE0] =	vst v32  }
.Ltmp2:
0x1a3: {  	v29 =	vmul.f32 v35, v29;
	v35 =	vbroadcast v18, $0x1;
	v39 =	vsel vm0, v39, v44;
	v32 =	vpop (erf);
	[tilespmem:s16+$0xE0] =	vst v28;
	(pc) =	sbr.rel @p0 .LBB2_7-.Ltmp2, $4  }
0x1a4: {  	v14 =	vsel vm0, v5, v4;
	v4 =	vmovc v41;
	v37 =	vmul.f32 v39, v42;
	v28 =	vbroadcast v18, $0x2;
	[tilespmem:s14+$0xFFFFFFD0] =	vst v34;
	s14 =	smov.u32 s16;
	s16 =	smov.u32 s9  }
0x1a5: {  	v5 =	vmovc v27;
	v42 =	vunpack.i.l.bf16.f32 v43;
	v41 =	vbroadcast v32, $0x1;
	v34 =	vbroadcast v18, $0x3;
	[tilespmem:s9+$0xFFFFFF80] =	vst v36  }
0x1a6: {  	v43 =	vmul.f32 v42, v23;
	v36 =	vnsel vm0, $0x0, v11;
	v11 =	vmovc v32;
	[tilespmem:s9+$0x90] =	vst v37;
	v37 =	vbroadcast v20, $0x3  }
0x1a7: {  	s7 =	sadd.s32 $0x140, s7;
	v42 =	vmul.f32 v45, v23;
	v27 =	vbroadcast v11, $0x0;
	[tilespmem:s9+$0xFFFFFF70] =	vst v29;
	v29 =	vunpack.i.u.bf16.f32 v40;
	v32 =	vld [tilespmem:s13+$0x20]  }
0x1a8: {  	v23 =	vmul.f32 v39, v25;
	[tilespmem:s14+$0xFFFFFF20] =	vst v43  }
0x1a9: {  	v60 =	vmul.f32 v38, v30;
	[tilespmem:s14+$0xFFFFFF30] =	vst v42  }
0x1aa: {  	[tilespmem:s9+$0xA0] =	vst v23  }
0x1ab: {  	v61 =	vunpack.i.l.bf16.f32 v40;
	v58 =	vmul.f32 v29, v9;
	[tilespmem:s14+$0xD0] =	vst v60  }
0x1ac: {  	v39 =	vmul.f32 v61, v9;
	v43 =	vld [tilespmem:s13+$0xFFFFFF90];
	[tilespmem:s14+$0xFFFFFF60] =	vst v36  }
0x1ad: {  	v52 =	vsel vm0, v33, v35;
	[tilespmem:s14+$0xFFFFFFC0] =	vst v58  }
0x1ae: {  	v62 =	vld [tilespmem:s12+$0xFFFFFFC0];
	v6 =	vnsel vm0, $0x0, v6;
	v54 =	vmul.f32 v52, v21;
	[tilespmem:s14+$0xFFFFFFB0] =	vst v39  }
0x1af: {  	v27 =	vsel vm0, v27, v41;
	v17 =	vmul.f32 v52, v17;
	v42 =	vld [tilespmem:s13+$0x80];
	[tilespmem:s14+$0x110] =	vst v6  }
0x1b0: {  	v22 =	vmul.f32 v27, v22;
	[tilespmem:s9+$0x0] =	vst v54  }
0x1b1: {  	v19 =	vmul.f32 v27, v19;
	[tilespmem:s9+$0x10] =	vst v17  }
0x1b2: {  	v45 =	vsel vm0, v26, v31;
	v10 =	vsel vm0, v10, v12;
	[tilespmem:s9+$0xFFFFFEE0] =	vst v22;
	v51 =	vunpack.i.u.bf16.f32 v32  }
0x1b3: {  	v3 =	vnsel vm0, $0x0, v3;
	v40 =	vld [tilespmem:s12+$0x60];
	[tilespmem:s9+$0xFFFFFEF0] =	vst v19;
	v56 =	vunpack.i.l.bf16.f32 v32;
	v12 =	vmul.f32 v51, v10  }
0x1b4: {  	v46 =	vunpack.i.u.bf16.f32 v62;
	v49 =	vunpack.i.l.bf16.f32 v62;
	v10 =	vmul.f32 v56, v10;
	v62 =	vld [tilespmem:s13+$0xFFFFFFE0];
	[tilespmem:s14+$0xFFFFFFF0] =	vst v3  }
0x1b5: {  	v44 =	vbroadcast v20, $0x2;
	v16 =	vsel vm0, v16, v24;
	v47 =	vmul.f32 v45, v46;
	[tilespmem:s14+$0x50] =	vst v12  }
0x1b6: {  	v55 =	vbroadcast v11, $0x2;
	v53 =	vld [tilespmem:s12+$0xFFFFFF70];
	v22 =	vmul.f32 v49, v45;
	v50 =	vunpack.i.u.bf16.f32 v43;
	[tilespmem:s14+$0x40] =	vst v10  }
0x1b7: {  	v57 =	vbroadcast v11, $0x3;
	v23 =	vunpack.i.l.bf16.f32 v43;
	[tilespmem:s9+$0xFFFFFFA0] =	vst v47;
	v19 =	vmul.f32 v50, v16  }
0x1b8: {  	v6 =	vsel vm0, v44, v37;
	v48 =	vunpack.i.l.bf16.f32 v40;
	[tilespmem:s9+$0xFFFFFF90] =	vst v22;
	v16 =	vmul.f32 v23, v16  }
0x1b9: {  	v7 =	vsel vm0, v7, v8;
	v17 =	vld [tilespmem:s12+$0x10];
	v61 =	vunpack.i.u.bf16.f32 v42;
	v26 =	vmul.f32 v48, v6;
	[tilespmem:s14+$0xFFFFFF50] =	vst v19  }
0x1ba: {  	v25 =	vunpack.i.u.bf16.f32 v40;
	v3 =	vmul.f32 v61, v7;
	[tilespmem:s14+$0xFFFFFF40] =	vst v16  }
0x1bb: {  	v59 =	vsel vm0, v55, v57;
	v6 =	vmul.f32 v6, v25;
	v60 =	vunpack.i.u.bf16.f32 v53;
	[tilespmem:s9+$0xB0] =	vst v26;
	v26 =	vld [tilespmem:s13+$0x30]  }
0x1bc: {  	v24 =	vbroadcast v11, $0x4;
	v29 =	vunpack.i.l.bf16.f32 v53;
	v16 =	vmul.f32 v59, v60;
	[tilespmem:s14+$0x100] =	vst v3  }
0x1bd: {  	v31 =	vsel vm0, v28, v34;
	v32 =	vunpack.i.l.bf16.f32 v42;
	v12 =	vmul.f32 v29, v59;
	[tilespmem:s16+$0xC0] =	vst v6  }
0x1be: {  	v7 =	vmul.f32 v32, v7;
	v33 =	vunpack.i.u.bf16.f32 v17;
	v3 =	vbroadcast v1, $0x7;
	[tilespmem:s16+$0xFFFFFF10] =	vst v16  }
0x1bf: {  	v34 =	vbroadcast v15, $0x5;
	v19 =	vmul.f32 v31, v33;
	v35 =	vld [tilespmem:s12+$0x70];
	[tilespmem:s16+$0xFFFFFF00] =	vst v12  }
0x1c0: {  	v27 =	vbroadcast v20, $0x4;
	[tilespmem:s14+$0xF0] =	vst v7;
	v2 =	vsel vm0, v2, v3;
	v37 =	vld [tilespmem:s12+$0xFFFFFF80];
	v3 =	vunpack.i.l.bf16.f32 v26  }
0x1c1: {  	v1 =	vnsel vm0, $0x0, v1;
	[tilespmem:s16+$0x30] =	vst v19;
	v21 =	vunpack.i.u.bf16.f32 v26;
	v3 =	vmul.f32 v3, v2  }
0x1c2: {  	v36 =	vbroadcast v20, $0x5;
	v17 =	vunpack.i.l.bf16.f32 v17;
	[tilespmem:s14+$0x80] =	vst v1;
	v2 =	vmul.f32 v21, v2  }
0x1c3: {  	v39 =	vunpack.i.u.bf16.f32 v62;
	v1 =	vbroadcast v11, $0x5;
	[tilespmem:s14+$0x60] =	vst v3;
	v3 =	vmul.f32 v17, v31  }
0x1c4: {  	v9 =	vsel vm0, v27, v36;
	v40 =	vunpack.i.u.bf16.f32 v35;
	[tilespmem:s14+$0x70] =	vst v2;
	v2 =	vmul.f32 v39, v14  }
0x1c5: {  	v41 =	vld [tilespmem:s12+$0xFFFFFFD0];
	v1 =	vsel vm0, v24, v1;
	v42 =	vunpack.i.l.bf16.f32 v37;
	[tilespmem:s16+$0x20] =	vst v3;
	v3 =	vmul.f32 v40, v9  }
0x1c6: {  	v38 =	vbroadcast v15, $0x4;
	v7 =	vunpack.i.u.bf16.f32 v37;
	[tilespmem:s14+$0xFFFFFFE0] =	vst v2;
	v2 =	vmul.f32 v42, v1;
	v43 =	vld [tilespmem:s12+$0x20]  }
0x1c7: {  	v8 =	vunpack.i.l.bf16.f32 v62;
	v44 =	vunpack.i.l.bf16.f32 v35;
	v1 =	vmul.f32 v7, v1;
	[tilespmem:s16+$0xE0] =	vst v3  }
0x1c8: {  	v8 =	vmul.f32 v8, v14;
	v7 =	vmul.f32 v44, v9;
	[tilespmem:s16+$0xFFFFFF20] =	vst v2  }
0x1c9: {  	v3 =	vbroadcast v18, $0x4;
	v2 =	vbroadcast v18, $0x5;
	[tilespmem:s16+$0xFFFFFF30] =	vst v1  }
0x1ca: {  	v51 =	vnsel vm0, $0x0, v11;
	v6 =	vsel vm0, v38, v34;
	[tilespmem:s14+$0xFFFFFFD0] =	vst v8;
	v45 =	vunpack.i.l.bf16.f32 v41;
	v46 =	vld [tilespmem:s12+$0xFFFFFF90]  }
0x1cb: {  	v1 =	vmul.f32 v45, v6;
	[tilespmem:s16+$0xD0] =	vst v7;
	v2 =	vsel vm0, v3, v2;
	v3 =	vunpack.i.u.bf16.f32 v43  }
0x1cc: {  	[tilespmem:s16+$0xFFFFFF60] =	vst v51;
	v10 =	vunpack.i.l.bf16.f32 v43;
	v3 =	vmul.f32 v3, v2  }
0x1cd: {  	v49 =	vbroadcast v11, $0x7;
	[tilespmem:s16+$0xFFFFFFB0] =	vst v1;
	v1 =	vld [tilespmem:s12+$0x80];
	v2 =	vmul.f32 v10, v2  }
0x1ce: {  	v47 =	vbroadcast v11, $0x6;
	v50 =	vbroadcast v20, $0x6;
	v52 =	vunpack.i.u.bf16.f32 v41;
	[tilespmem:s16+$0x50] =	vst v3  }
0x1cf: {  	v48 =	vnsel vm0, $0x0, v20;
	v6 =	vmul.f32 v52, v6;
	v53 =	vunpack.i.u.bf16.f32 v46;
	[tilespmem:s16+$0x40] =	vst v2  }
0x1d0: {  	[tilespmem:s16+$0x110] =	vst v48;
	v8 =	vunpack.i.l.bf16.f32 v46;
	v3 =	vsel vm0, v47, v49;
	v2 =	vbroadcast v20, $0x7;
	v54 =	vld [tilespmem:s12+$0x30]  }
0x1d1: {  	v55 =	vnsel vm0, $0x0, v15;
	[tilespmem:s16+$0xFFFFFFC0] =	vst v6;
	v9 =	vmul.f32 v53, v3;
	v3 =	vmul.f32 v8, v3  }
0x1d2: {  	v58 =	vbroadcast v18, $0x7;
	v57 =	vld [tilespmem:s12+$0xFFFFFFE0];
	[tilespmem:s16+$0xFFFFFFF0] =	vst v55;
	v56 =	vunpack.i.u.bf16.f32 v1;
	v2 =	vsel vm0, v50, v2  }
0x1d3: {  	v59 =	vnsel vm0, $0x0, v18;
	v1 =	vunpack.i.l.bf16.f32 v1;
	[tilespmem:s16+$0xFFFFFF40] =	vst v3;
	v3 =	vmul.f32 v56, v2  }
0x1d4: {  	[tilespmem:s16+$0x80] =	vst v59;
	v1 =	vmul.f32 v1, v2  }
0x1d5: {  	v2 =	vsel vm0, v13, v58;
	[tilespmem:s16+$0x100] =	vst v3;
	v3 =	vunpack.i.l.bf16.f32 v54  }
0x1d6: {  	s11 =	sadd.s32 $0x1, s11;
	[tilespmem:s16+$0xF0] =	vst v1;
	v60 =	vunpack.i.u.bf16.f32 v54;
	v1 =	vmul.f32 v3, v2  }
0x1d7: {  	p0 =	sne.s32 s11, $0x3F;
	v61 =	vunpack.i.u.bf16.f32 v57;
	[tilespmem:s16+$0xFFFFFF50] =	vst v9;
	v3 =	vsel vm0, v5, v4;
	v2 =	vmul.f32 v60, v2  }
.Ltmp3:
0x1d8: {  	v62 =	vunpack.i.l.bf16.f32 v57;
	[tilespmem:s16+$0x60] =	vst v1;
	v1 =	vmul.f32 v61, v3;
	(pc) =	sbr.rel @p0 .LBB2_4-.Ltmp3, $4  }
0x1d9: {  	[tilespmem:s16+$0x70] =	vst v2;
	v2 =	vmul.f32 v62, v3  }
0x1da: {  	[tilespmem:s16+$0xFFFFFFE0] =	vst v1  }
0x1db: {  	[tilespmem:s16+$0xFFFFFFD0] =	vst v2  }
0x1dc: {  	[spmem:s3] =	stream.indirect.scatter.add.f32 [tilespmem:s19], [sflag:$0x6], $0x90, s8, s21, $0xb8;
	v63 =	vld [tilespmem:$0x0]  }
0x1dd: {  	s7 =	simm.s32 $0x5  }
0x1de: {  	_ =	swait.ge [sflag:s7], $0x2D00  }
0x1df: {  	[sflag:s7] =	ssyncset.done $0x0  }
0x1e0: {  	s16 =	simm.s32 $0x6;
	[sflag:s7] =	ssyncadd.s32 $0xFFFFD300  }
0x1e1: {  	_ =	swait.ge [sflag:s16], $0x2D00  }
0x1e2: {  	[sflag:s16] =	ssyncset.done $0x0  }
0x1e3: {  	[sflag:s16] =	ssyncadd.s32 $0xFFFFD300  }
0x1e4: {  	s17 =	stileid.u32;
	[bflag:$0x0] =	sbarrier.arrive $0xFFFF  }
0x1e5: {  	s7 =	sshll.u32 s17, $0x6;
	s11 =	rddreg [dreg:$0x4]  }
0x1e6: {  	s7 =	sor.u32 $0x1C07, s7;
	s10 =	rddreg [dreg:$0xd];
	s9 =	sshrl.u32 s11, $0x3  }
0x1e7: {  	[hbm:s10], [sflag:s7] =	dma.local [spmem:s9], $0x2D00  }
0x1e8: {  	_ =	swait.ge [sflag:s20], $0x2D00  }
0x1e9: {  	s4 =	sadd.s32 $0x1, s4;
	s18 =	rddreg [dreg:$0xe]  }
0x1ea: {  	p0 =	sne.s32 s4, s18  }
.Ltmp4:
0x1eb: {  	_ = 	snop;
	(pc) =	sbr.rel @p0 .LBB2_1-.Ltmp4, $3  }
0x1ec: {  	_ =	sdelay $0x1  }
0x1ed: {  	[sflag:s20] =	ssyncset.done $0x0  }
0x1ee: {  	[sflag:s20] =	ssyncadd.s32 $0xFFFFD300  }
0x1ef: {  	_ =	sfence.sel $0x180000  }
0x1f0: {  	[bflag:$0x0] =	sbarrier.arrive $0xFFFF  }
0x1f1: {  	_ =	strace $0x90000047  }
0x1f2: {  	s0 =	stileid.u32;
	[bflag:$0x2] =	sbarrier.arrive $0xFFFF  }
0x1f3: {  	p0 =	sne.s32 s0, $0x0;
	s0 =	rddreg [dreg:$0x3]  }
0x1f4: {  	s0 =	sadd.s32 @!p0 $0x100000, s0  }
0x1f5: {  	[sflag:s0] =	ssyncadd.tile.s32 @!p0 $0x1;
	_ =	shalt  }
.Lfunc_end2:
_tile_overlayer_lowered:
.L_overlay_start_2:
0x1f6: {  	(tag) =	ssettag $0x2  }
0x1f7: {  	s0 =	rddreg [dreg:$0x0];
	s2 =	stileid.u32  }
0x1f8: {  	s1 =	rddreg [dreg:$0x1];
	p0 =	sne.s32 s2, $0x0  }
0x1f9: {  	s3 =	rddreg [dreg:$0x2];
	[bflag:$0x3] =	sbarrier.arrive $0xFFFF;
	s2 =	simm.s32 @!p0 $0x1C07  }
0x1fa: {  	[timem:s3], [sflag:s2] =	dma.local @!p0 [hbm:s0], s1  }
0x1fb: {  	s0 =	simm.s32 @!p0 $0x7  }
0x1fc: {  	_ =	swait.ge @!p0 [sflag:s0], s1  }
0x1fd: {  	s1 =	ssub.s32 @!p0 $0x0, s1;
	[sflag:s0] =	ssyncset.done @!p0 $0x0  }
0x1fe: {  	[sflag:s0] =	ssyncadd.s32 @!p0 s1  }
0x1ff: {  	[bflag:$0x3] =	sbarrier.arrive $0xFFFF  }
0x200: {  	_ =	shalt  }

</sc_bundles>
